<compile_context>
chip_gen: v7x
topology: tpu7x:2x2x1
jax: 0.10.2.dev20260603
libtpu: 0.0.44.dev20260713+nightly
codegen_flags: <defaults>
</compile_context>

<pallas_src>
import functools

import jax
import jax.numpy as jnp
import numpy as np
from jax import lax
from jax.experimental import pallas as pl
from jax.experimental.pallas import tpu as pltpu
from jax.experimental.pallas import tpu_sc as plsc

_NC = 2
_NS = 16
_NW = _NC * _NS
_LANES = 16

_G = 8

_CHANGE = np.array([
    [3 ** -0.5, 0, 0, 0, 3 ** -0.5, 0, 0, 0, 3 ** -0.5],
    [0, 0, 0, 0, 0, 2 ** -0.5, 0, -(2 ** -0.5), 0],
    [0, 0, -(2 ** -0.5), 0, 0, 0, 2 ** -0.5, 0, 0],
    [0, 2 ** -0.5, 0, -(2 ** -0.5), 0, 0, 0, 0, 0],
    [0, 0, 0.5 ** 0.5, 0, 0, 0, 0.5 ** 0.5, 0, 0],
    [0, 2 ** -0.5, 0, 2 ** -0.5, 0, 0, 0, 0, 0],
    [-(6 ** -0.5), 0, 0, 0, 2 * 6 ** -0.5, 0, 0, 0, -(6 ** -0.5)],
    [0, 0, 0, 0, 0, 2 ** -0.5, 0, 2 ** -0.5, 0],
    [2 ** -0.5, 0, 0, 0, 0, 0, 0, 0, -(2 ** -0.5)],
], dtype=np.float32)
_CHANGE_SUB = _CHANGE[[0, 4, 5, 6, 7, 8], :]

_SPH_C = float(np.sqrt(5.0 / (4.0 * np.pi)))
_SQRT3 = float(np.sqrt(3.0))


def _silu_half(h):
    return h * jnp.tanh(h) + h


def _sc_hist_body(cpt, dst_hbm, zeros_hbm, out_hbm, dst_v, hist_v):
    wid = lax.axis_index("s") * _NC + lax.axis_index("c")
    base = wid * cpt * _LANES
    pltpu.sync_copy(dst_hbm.at[pl.ds(base, cpt * _LANES)], dst_v)
    pltpu.sync_copy(zeros_hbm, hist_v)
    ones = jnp.ones((_LANES,), jnp.int32)

    def body(i, carry):
        idx = dst_v[pl.ds(i * _LANES, _LANES)]
        plsc.addupdate_scatter(hist_v, [idx], ones)
        return carry

    lax.fori_loop(0, cpt, body, 0)
    pltpu.sync_copy(hist_v, out_hbm.at[wid])


def _sc_hist(dst_pad, np_pad, cpt):
    zeros = jnp.zeros((np_pad,), jnp.int32)
    mesh = plsc.VectorSubcoreMesh(
        core_axis_name="c", subcore_axis_name="s",
        num_cores=_NC, num_subcores=_NS)
    fn = functools.partial(
        pl.kernel,
        out_type=jax.ShapeDtypeStruct((_NW, np_pad), jnp.int32),
        mesh=mesh,
        scratch_types=[
            pltpu.VMEM((cpt * _LANES,), jnp.int32),
            pltpu.VMEM((np_pad,), jnp.int32),
        ],
        compiler_params=pltpu.CompilerParams(needs_layout_passes=False),
    )(functools.partial(_sc_hist_body, cpt))
    return fn(dst_pad, zeros)


def _tc_weights_body(n, hist_ref, batch_ref, out_ref, wsum_ref):
    counts = jnp.sum(hist_ref[...], axis=0, keepdims=True)
    denom = jnp.maximum(counts, 1).astype(jnp.float32)
    out_ref[...] = 1.0 / denom
    np_pad = counts.shape[1]
    col = jax.lax.broadcasted_iota(jnp.int32, (1, np_pad), 1)
    live = jnp.logical_and(counts > 0, col < n)
    b = batch_ref[...]
    cols = []
    for gg in range(_G):
        m = jnp.logical_and(live, b == gg).astype(jnp.float32)
        cols.append(jnp.sum(m, axis=1, keepdims=True))
    wsum_ref[...] = jnp.concatenate(cols, axis=1)


def _tc_weights(hist_part, batch_pad, n):
    np_pad = hist_part.shape[1]
    return pl.pallas_call(
        functools.partial(_tc_weights_body, n),
        out_shape=(
            jax.ShapeDtypeStruct((1, np_pad), jnp.float32),
            jax.ShapeDtypeStruct((1, _G), jnp.float32),
        ),
    )(hist_part, batch_pad.reshape(1, np_pad))


def _sc_gather_body(cpt, np_pad, dst_hbm, w_hbm, b_hbm,
                    w_out, g_out, dst_v, wtab, btab, we_v, ge_v):
    wid = lax.axis_index("s") * _NC + lax.axis_index("c")
    base = wid * cpt * _LANES
    pltpu.sync_copy(dst_hbm.at[pl.ds(base, cpt * _LANES)], dst_v)
    pltpu.sync_copy(w_hbm, wtab)
    pltpu.sync_copy(b_hbm, btab)

    @plsc.parallel_loop(0, cpt * _LANES, step=_LANES, unroll=8)
    def body(i):
        sl = pl.ds(i, _LANES)
        idx = dst_v[sl]
        we_v[sl] = plsc.load_gather(wtab, [idx])
        ge_v[sl] = plsc.load_gather(btab, [idx])

    pltpu.sync_copy(we_v, w_out.at[pl.ds(base, cpt * _LANES)])
    pltpu.sync_copy(ge_v, g_out.at[pl.ds(base, cpt * _LANES)])


def _sc_gather(dst_pad, w_node, batch_pad, cpt):
    e_pad = dst_pad.shape[0]
    np_pad = w_node.shape[0]
    mesh = plsc.VectorSubcoreMesh(
        core_axis_name="c", subcore_axis_name="s",
        num_cores=_NC, num_subcores=_NS)
    fn = functools.partial(
        pl.kernel,
        out_type=(
            jax.ShapeDtypeStruct((e_pad,), jnp.float32),
            jax.ShapeDtypeStruct((e_pad,), jnp.int32),
        ),
        mesh=mesh,
        scratch_types=[
            pltpu.VMEM((cpt * _LANES,), jnp.int32),
            pltpu.VMEM((np_pad,), jnp.float32),
            pltpu.VMEM((np_pad,), jnp.int32),
            pltpu.VMEM((cpt * _LANES,), jnp.float32),
            pltpu.VMEM((cpt * _LANES,), jnp.int32),
        ],
        compiler_params=pltpu.CompilerParams(needs_layout_passes=False),
    )(functools.partial(_sc_gather_body, cpt, np_pad))
    return fn(dst_pad, w_node, batch_pad)


def _tc_main_body(nb, ff_ref, ev_ref, w_ref, g_ref,
                  ws1_ref, bs1_ref, ws2_ref, wi1_ref, bi1_ref, wi2_ref,
                  b2_ref, msub_ref, wsum_ref, out_ref, acc_ref):
    i = pl.program_id(0)
    bf = jnp.bfloat16
    grow = g_ref[...]
    gsel = jax.lax.broadcasted_iota(jnp.int32, (_G, 1), 0)
    r8 = jnp.where(grow == gsel, w_ref[...], 0.0).astype(bf)

    def col(x, w2):
        gk = jax.lax.dot_general(r8, x, (((1,), (0,)), ((), ())),
                                 preferred_element_type=jnp.float32)
        return jnp.dot(gk, w2, preferred_element_type=jnp.float32)

    ff = ff_ref[...].astype(bf)
    a = jnp.dot(ff, ws1_ref[...].astype(bf),
                preferred_element_type=jnp.float32).astype(bf)
    s = _silu_half(a + bs1_ref[...].astype(bf))
    cols = [col(s, ws2_ref[...])]
    t = jnp.dot(ff, wi1_ref[...].astype(bf),
                preferred_element_type=jnp.float32).astype(bf)
    ev = ev_ref[...]
    x, y, z = ev[0:1, :], ev[1:2, :], ev[2:3, :]
    rn = 1.0 / (jnp.sqrt(x * x + y * y + z * z) + 1e-12)
    nx, ny, nz = x * rn, y * rn, z * rn
    sph5 = jnp.concatenate([
        _SPH_C * _SQRT3 * nx * nz,
        _SPH_C * _SQRT3 * nx * ny,
        _SPH_C * (ny * ny - 0.5 * (nx * nx + nz * nz)),
        _SPH_C * _SQRT3 * ny * nz,
        _SPH_C * (_SQRT3 / 2.0) * (nz * nz - nx * nx),
    ], axis=0).astype(bf)
    eye5 = jnp.eye(5, dtype=bf)
    spht = jax.lax.dot_general(sph5, eye5, (((0,), (0,)), ((), ())),
                               preferred_element_type=jnp.float32
                               ).astype(bf)
    bi1 = bi1_ref[...].astype(bf)
    wi2 = wi2_ref[...]
    for k in range(5):
        p = _silu_half(spht[:, k:k + 1] * t + bi1)
        cols.append(col(p, wi2))
    bins = jnp.concatenate(cols, axis=1)

    @pl.when(i == 0)
    def _():
        acc_ref[...] = bins

    @pl.when(i > 0)
    def _():
        acc_ref[...] = acc_ref[...] + bins

    @pl.when(i == nb - 1)
    def _():
        b6 = jnp.concatenate(
            [b2_ref[:, 0:1]] + [b2_ref[:, 1:2]] * 5, axis=1)
        acc = acc_ref[...] + wsum_ref[...] * b6
        msub = msub_ref[...]
        out = acc[:, 0:1] * msub[0:1, :]
        for k in range(1, 6):
            out = out + acc[:, k:k + 1] * msub[k:k + 1, :]
        out_ref[...] = out


def _tc_main(ff, ev, w2d, g2d, Ws1, bs1, Ws2, Wi1, bi1, Wi2, b2, wsum, be):
    e, h = ff.shape
    nb = e // be
    msub = jnp.asarray(_CHANGE_SUB)
    grid = (nb,)
    edge_spec = lambda c: pl.BlockSpec((be, c), lambda i: (i, 0))
    const_spec = lambda s: pl.BlockSpec(s, lambda i: (0, 0))
    return pl.pallas_call(
        functools.partial(_tc_main_body, nb),
        grid=grid,
        in_specs=[
            edge_spec(h),
            pl.BlockSpec((3, be), lambda i: (0, i)),
            pl.BlockSpec((1, be), lambda i: (0, i)),
            pl.BlockSpec((1, be), lambda i: (0, i)),
            const_spec((h, h)),
            const_spec((1, h)),
            const_spec((h, 1)),
            const_spec((h, h)),
            const_spec((1, h)),
            const_spec((h, 1)),
            const_spec((1, 2)),
            const_spec((6, 9)),
            const_spec((_G, 1)),
        ],
        out_specs=pl.BlockSpec((_G, 9), lambda i: (0, 0)),
        out_shape=jax.ShapeDtypeStruct((_G, 9), jnp.float32),
        scratch_shapes=[pltpu.VMEM((_G, 6), jnp.float32)],
        compiler_params=pltpu.CompilerParams(
            fuse_transposed_lhs_in_matmul=True),
    )(ff, ev, w2d, g2d, Ws1, bs1, Ws2, Wi1, bi1, Wi2, b2, msub, wsum)


def kernel(force_features, edge_vectors, edge_index_dst, batch_idx,
           Ws1, bs1, Ws2, bs2, Wi1, bi1, Wi2, bi2):
    e, h = force_features.shape
    n = batch_idx.shape[0]

    np_pad = ((n + 1 + 127) // 128) * 128
    chunks = -(-e // _LANES)
    cpt = -(-chunks // _NW)
    e_pad = cpt * _LANES * _NW

    dst = edge_index_dst.astype(jnp.int32)
    dst_pad = jnp.concatenate(
        [dst, jnp.full((e_pad - e,), n, jnp.int32)])
    batch_pad = jnp.concatenate(
        [batch_idx.astype(jnp.int32),
         jnp.zeros((np_pad - n,), jnp.int32)])

    hist_part = _sc_hist(dst_pad, np_pad, cpt)
    w_node2, wsum = _tc_weights(hist_part, batch_pad, n)
    w_node = w_node2.reshape(np_pad)
    w_e, g_e = _sc_gather(dst_pad, w_node, batch_pad, cpt)

    be = 16000
    w2d = w_e.reshape(1, e_pad)
    g2d = g_e.reshape(1, e_pad)
    b2 = jnp.stack([bs2[0], bi2[0]]).reshape(1, 2)
    out = _tc_main(force_features, edge_vectors.T, w2d, g2d,
                   0.5 * Ws1, 0.5 * bs1.reshape(1, h), Ws2.reshape(h, 1),
                   0.5 * Wi1, 0.5 * bi1.reshape(1, h), Wi2.reshape(h, 1),
                   b2, wsum.reshape(_G, 1), be)
    return out.reshape(_G, 3, 3)

# --- scband reference (transcript-rebuilt; emitter-appended) ---
"""Pipeline reference for scband-direct-stress-output-head-43954695307756 (READ-ONLY COPY).

The authoritative reference and input builder live on the scoring server;
editing this copy changes nothing except your own understanding.
"""

import jax, jax.numpy as jnp
import numpy as np

N_NODES = 10000
N_EDGES = 160000
HIDDEN = 128
N_GRAPHS = 8

_CHANGE_MAT_T = np.array([
    [3 ** -0.5, 0, 0, 0, 3 ** -0.5, 0, 0, 0, 3 ** -0.5],
    [0, 0, 0, 0, 0, 2 ** -0.5, 0, -(2 ** -0.5), 0],
    [0, 0, -(2 ** -0.5), 0, 0, 0, 2 ** -0.5, 0, 0],
    [0, 2 ** -0.5, 0, -(2 ** -0.5), 0, 0, 0, 0, 0],
    [0, 0, 0.5 ** 0.5, 0, 0, 0, 0.5 ** 0.5, 0, 0],
    [0, 2 ** -0.5, 0, 2 ** -0.5, 0, 0, 0, 0, 0],
    [-(6 ** -0.5), 0, 0, 0, 2 * 6 ** -0.5, 0, 0, 0, -(6 ** -0.5)],
    [0, 0, 0, 0, 0, 2 ** -0.5, 0, 2 ** -0.5, 0],
    [2 ** -0.5, 0, 0, 0, 0, 0, 0, 0, -(2 ** -0.5)],
], dtype=np.float32)


def _sph_harm_l2(vec):
    # e3nn o3.spherical_harmonics(2, vec, normalize=True, normalization='integral')
    n = vec / (jnp.linalg.norm(vec, axis=-1, keepdims=True) + 1e-12)
    x, y, z = n[..., 0], n[..., 1], n[..., 2]
    c = float(np.sqrt(5.0 / (4.0 * np.pi)))
    s3 = float(np.sqrt(3.0))
    return jnp.stack([
        c * s3 * x * z,
        c * s3 * x * y,
        c * (y * y - 0.5 * (x * x + z * z)),
        c * s3 * y * z,
        c * (s3 / 2.0) * (z * z - x * x),
    ], axis=-1)


def setup_inputs(seed: int = 0):
    key = jax.random.key(seed)
    ks = jax.random.split(key, 8)
    s = 0.05
    return {
        "force_features": jax.random.normal(ks[0], (N_EDGES, HIDDEN), dtype=jnp.float32),
        "edge_vectors": jax.random.normal(ks[1], (N_EDGES, 3), dtype=jnp.float32),
        "edge_index_dst": jax.random.randint(ks[2], (N_EDGES,), 0, N_NODES),
        "batch_idx": jnp.sort(jax.random.randint(ks[3], (N_NODES,), 0, N_GRAPHS)),
        "Ws1": s * jax.random.normal(ks[4], (HIDDEN, HIDDEN), dtype=jnp.float32),
        "bs1": jnp.zeros((HIDDEN,), jnp.float32),
        "Ws2": s * jax.random.normal(ks[5], (HIDDEN, 1), dtype=jnp.float32),
        "bs2": jnp.zeros((1,), jnp.float32),
        "Wi1": s * jax.random.normal(ks[6], (HIDDEN, HIDDEN), dtype=jnp.float32),
        "bi1": jnp.zeros((HIDDEN,), jnp.float32),
        "Wi2": s * jax.random.normal(ks[7], (HIDDEN, 1), dtype=jnp.float32),
        "bi2": jnp.zeros((1,), jnp.float32),
    }


def reference(force_features, edge_vectors, edge_index_dst, batch_idx,
              Ws1, bs1, Ws2, bs2, Wi1, bi1, Wi2, bi2):
    n_nodes = batch_idx.shape[0]
    n_graphs = N_GRAPHS
    # degree-2 spherical harmonics of edge vectors (detached in original)
    sphere_irrep2 = jax.lax.stop_gradient(_sph_harm_l2(edge_vectors))  # (E, 5)
    # edge-level scalar (irrep-0) MLP: Linear -> SiLU -> Linear
    edge_scalar = jax.nn.silu(force_features @ Ws1 + bs1) @ Ws2 + bs2  # (E, 1)
    # edge-level irrep-2 MLP on sphere_irrep2 outer force_features
    edge_irrep2 = sphere_irrep2[:, :, None] * force_features[:, None, :]  # (E, 5, H)
    edge_irrep2 = jax.nn.silu(edge_irrep2 @ Wi1 + bi1) @ Wi2 + bi2  # (E, 5, 1)
    # scatter-mean edges -> nodes (by dst index)
    ones = jnp.ones((edge_index_dst.shape[0],), jnp.float32)
    counts = jax.ops.segment_sum(ones, edge_index_dst, num_segments=n_nodes)
    denom = jnp.clip(counts, 1.0, None)
    node_scalar = jax.ops.segment_sum(edge_scalar, edge_index_dst, num_segments=n_nodes) / denom[:, None]
    node_irrep2 = jax.ops.segment_sum(edge_irrep2, edge_index_dst, num_segments=n_nodes) / denom[:, None, None]
    # extensive (sum) reduction nodes -> graphs
    scalar = jax.ops.segment_sum(node_scalar.reshape(-1), batch_idx, num_segments=n_graphs)  # (B,)
    irrep2 = jax.ops.segment_sum(node_irrep2.reshape(-1, 5), batch_idx, num_segments=n_graphs)  # (B, 5)
    vector = jnp.zeros((n_graphs, 3), dtype=scalar.dtype)
    flat = jnp.concatenate([scalar[:, None], vector, irrep2], axis=1)  # (B, 9)
    # stress = einsum('ab,cb->ca', change_mat, flat) with change_mat = M.T  ==  flat @ M
    stress = flat @ jnp.asarray(_CHANGE_MAT_T)
    return stress.reshape(n_graphs, 3, 3)

if __name__ == "__main__":
    import jax
    _d = setup_inputs()
    print(jax.jit(kernel)(*tuple(_d.values())))

</pallas_src>

<mosaic_0001>
#map = affine_map<(d0, d1) -> (0)>
module attributes {stable_mosaic.version = 14 : i64} {
  func.func @_sc_gather_body(%arg0: i32, %arg1: i32, %arg2: memref<160256xi32, #tpu.memory_space<hbm>>, %arg3: memref<10112xf32, #tpu.memory_space<hbm>>, %arg4: memref<10112xi32, #tpu.memory_space<hbm>>, %arg5: memref<160256xf32, #tpu.memory_space<hbm>>, %arg6: memref<160256xi32, #tpu.memory_space<hbm>>, %arg7: memref<5008xi32, #tpu.memory_space<vmem>>, %arg8: memref<10112xf32, #tpu.memory_space<vmem>>, %arg9: memref<10112xi32, #tpu.memory_space<vmem>>, %arg10: memref<5008xf32, #tpu.memory_space<vmem>>, %arg11: memref<5008xi32, #tpu.memory_space<vmem>>) attributes {dimension_semantics = [#tpu.dimension_semantics<core_parallel>, #tpu.dimension_semantics<subcore_parallel>], iteration_bounds = array<i64: 2, 16>, scalar_prefetch = 0 : i64, scratch_operands = 5 : i64, tpu.core_type = #tpu.core_type<sc_vector_subcore>, window_params = [{transform_indices = #map}, {transform_indices = #map}, {transform_indices = #map}, {transform_indices = #map}, {transform_indices = #map}]} {
    %mul3A = arith.constant 2 : i32
    %mul3A_0 = arith.muli %arg1, %mul3A : i32
    %add3A = arith.addi %mul3A_0, %arg0 : i32
    %mul3A_1 = arith.constant 313 : i32
    %mul3A_2 = arith.muli %add3A, %mul3A_1 : i32
    %mul3A_3 = arith.constant 16 : i32
    %mul3A_4 = arith.muli %mul3A_2, %mul3A_3 : i32
    "tpu.region"() ({
      %run_scoped3A = tpu.sem_alloc : memref<!tpu.dma_semaphore, #tpu.memory_space<semaphore_mem>>
      %dma_start3A = tpu.memref_slice %arg2[%mul3A_4] : memref<160256xi32, #tpu.memory_space<hbm>> -> memref<5008xi32, #tpu.memory_space<hbm>>
      %dma_start3A_7 = tpu.memref_slice %arg2[%mul3A_4] : memref<160256xi32, #tpu.memory_space<hbm>> -> memref<5008xi32, #tpu.memory_space<hbm>>
      tpu.enqueue_dma source(%dma_start3A_7 : memref<5008xi32, #tpu.memory_space<hbm>>) target(%arg7 : memref<5008xi32, #tpu.memory_space<vmem>>) target_semaphore(%run_scoped3A : memref<!tpu.dma_semaphore, #tpu.memory_space<semaphore_mem>>)
      %dma_wait3A = tpu.memref_slice %arg2[%mul3A_4] : memref<160256xi32, #tpu.memory_space<hbm>> -> memref<5008xi32, #tpu.memory_space<hbm>>
      %dma_wait3A_8 = tpu.memref_slice %arg2[%mul3A_4] : memref<160256xi32, #tpu.memory_space<hbm>> -> memref<5008xi32, #tpu.memory_space<hbm>>
      tpu.wait_dma2 semaphore(%run_scoped3A : memref<!tpu.dma_semaphore, #tpu.memory_space<semaphore_mem>>) src(%dma_wait3A_8 : memref<5008xi32, #tpu.memory_space<hbm>>) dst(%arg7 : memref<5008xi32, #tpu.memory_space<vmem>>)
      tpu.yield
    }) : () -> ()
    "tpu.region"() ({
      %run_scoped3A = tpu.sem_alloc : memref<!tpu.dma_semaphore, #tpu.memory_space<semaphore_mem>>
      tpu.enqueue_dma source(%arg3 : memref<10112xf32, #tpu.memory_space<hbm>>) target(%arg8 : memref<10112xf32, #tpu.memory_space<vmem>>) target_semaphore(%run_scoped3A : memref<!tpu.dma_semaphore, #tpu.memory_space<semaphore_mem>>)
      tpu.wait_dma2 semaphore(%run_scoped3A : memref<!tpu.dma_semaphore, #tpu.memory_space<semaphore_mem>>) src(%arg3 : memref<10112xf32, #tpu.memory_space<hbm>>) dst(%arg8 : memref<10112xf32, #tpu.memory_space<vmem>>)
      tpu.yield
    }) : () -> ()
    "tpu.region"() ({
      %run_scoped3A = tpu.sem_alloc : memref<!tpu.dma_semaphore, #tpu.memory_space<semaphore_mem>>
      tpu.enqueue_dma source(%arg4 : memref<10112xi32, #tpu.memory_space<hbm>>) target(%arg9 : memref<10112xi32, #tpu.memory_space<vmem>>) target_semaphore(%run_scoped3A : memref<!tpu.dma_semaphore, #tpu.memory_space<semaphore_mem>>)
      tpu.wait_dma2 semaphore(%run_scoped3A : memref<!tpu.dma_semaphore, #tpu.memory_space<semaphore_mem>>) src(%arg4 : memref<10112xi32, #tpu.memory_space<hbm>>) dst(%arg9 : memref<10112xi32, #tpu.memory_space<vmem>>)
      tpu.yield
    }) : () -> ()
    %parallel_loop3A = arith.constant 0 : i32
    %parallel_loop3A_5 = arith.constant 5008 : i32
    %parallel_loop3A_6 = arith.constant 16 : i32
    scf.for %parallel_loop3A_7 = %parallel_loop3A to %parallel_loop3A_5 step %parallel_loop3A_6  : i32 {
      %parallel_loop3A_8 = arith.index_cast %parallel_loop3A_7 : i32 to index
      %parallel_loop3A_9 = tpu.vector_load %arg7[%parallel_loop3A_8] {strides = array<i32>} : memref<5008xi32, #tpu.memory_space<vmem>>, vector<16xi32>,
      %parallel_loop3A_10 = tpu.vector_load_idx %arg8[%parallel_loop3A_9] : memref<10112xf32, #tpu.memory_space<vmem>>[vector<16xi32>], vector<16xf32>,
      %parallel_loop3A_11 = arith.index_cast %parallel_loop3A_7 : i32 to index
      %parallel_loop3A_12 = tpu.vector_load %arg10[%parallel_loop3A_11] {strides = array<i32>} : memref<5008xf32, #tpu.memory_space<vmem>>, vector<16xf32>,
      tpu.vector_store %arg10[%parallel_loop3A_11], %parallel_loop3A_10 {strides = array<i32>} : memref<5008xf32, #tpu.memory_space<vmem>>, vector<16xf32>,
      %parallel_loop3A_13 = tpu.vector_load_idx %arg9[%parallel_loop3A_9] : memref<10112xi32, #tpu.memory_space<vmem>>[vector<16xi32>], vector<16xi32>,
      %parallel_loop3A_14 = arith.index_cast %parallel_loop3A_7 : i32 to index
      %parallel_loop3A_15 = tpu.vector_load %arg11[%parallel_loop3A_14] {strides = array<i32>} : memref<5008xi32, #tpu.memory_space<vmem>>, vector<16xi32>,
      tpu.vector_store %arg11[%parallel_loop3A_14], %parallel_loop3A_13 {strides = array<i32>} : memref<5008xi32, #tpu.memory_space<vmem>>, vector<16xi32>,
    } {sc.loop_unroll_factor = 8 : i64, sc.parallel_access}
    "tpu.region"() ({
      %run_scoped3A = tpu.sem_alloc : memref<!tpu.dma_semaphore, #tpu.memory_space<semaphore_mem>>
      %dma_start3A = tpu.memref_slice %arg5[%mul3A_4] : memref<160256xf32, #tpu.memory_space<hbm>> -> memref<5008xf32, #tpu.memory_space<hbm>>
      %dma_start3A_7 = tpu.memref_slice %arg5[%mul3A_4] : memref<160256xf32, #tpu.memory_space<hbm>> -> memref<5008xf32, #tpu.memory_space<hbm>>
      tpu.enqueue_dma source(%arg10 : memref<5008xf32, #tpu.memory_space<vmem>>) target(%dma_start3A_7 : memref<5008xf32, #tpu.memory_space<hbm>>) target_semaphore(%run_scoped3A : memref<!tpu.dma_semaphore, #tpu.memory_space<semaphore_mem>>)
      %dma_wait3A = tpu.memref_slice %arg5[%mul3A_4] : memref<160256xf32, #tpu.memory_space<hbm>> -> memref<5008xf32, #tpu.memory_space<hbm>>
      %dma_wait3A_8 = tpu.memref_slice %arg5[%mul3A_4] : memref<160256xf32, #tpu.memory_space<hbm>> -> memref<5008xf32, #tpu.memory_space<hbm>>
      tpu.wait_dma2 semaphore(%run_scoped3A : memref<!tpu.dma_semaphore, #tpu.memory_space<semaphore_mem>>) src(%arg10 : memref<5008xf32, #tpu.memory_space<vmem>>) dst(%dma_wait3A_8 : memref<5008xf32, #tpu.memory_space<hbm>>)
      tpu.yield
    }) : () -> ()
    "tpu.region"() ({
      %run_scoped3A = tpu.sem_alloc : memref<!tpu.dma_semaphore, #tpu.memory_space<semaphore_mem>>
      %dma_start3A = tpu.memref_slice %arg6[%mul3A_4] : memref<160256xi32, #tpu.memory_space<hbm>> -> memref<5008xi32, #tpu.memory_space<hbm>>
      %dma_start3A_7 = tpu.memref_slice %arg6[%mul3A_4] : memref<160256xi32, #tpu.memory_space<hbm>> -> memref<5008xi32, #tpu.memory_space<hbm>>
      tpu.enqueue_dma source(%arg11 : memref<5008xi32, #tpu.memory_space<vmem>>) target(%dma_start3A_7 : memref<5008xi32, #tpu.memory_space<hbm>>) target_semaphore(%run_scoped3A : memref<!tpu.dma_semaphore, #tpu.memory_space<semaphore_mem>>)
      %dma_wait3A = tpu.memref_slice %arg6[%mul3A_4] : memref<160256xi32, #tpu.memory_space<hbm>> -> memref<5008xi32, #tpu.memory_space<hbm>>
      %dma_wait3A_8 = tpu.memref_slice %arg6[%mul3A_4] : memref<160256xi32, #tpu.memory_space<hbm>> -> memref<5008xi32, #tpu.memory_space<hbm>>
      tpu.wait_dma2 semaphore(%run_scoped3A : memref<!tpu.dma_semaphore, #tpu.memory_space<semaphore_mem>>) src(%arg11 : memref<5008xi32, #tpu.memory_space<vmem>>) dst(%dma_wait3A_8 : memref<5008xi32, #tpu.memory_space<hbm>>)
      tpu.yield
    }) : () -> ()
    return
  }
}

#map = affine_map<(d0, d1) -> (0)>
#map1 = affine_map<(d0, d1) -> (0, 0)>
module attributes {stable_mosaic.version = 14 : i64} {
  func.func @_sc_hist_body(%arg0: i32, %arg1: i32, %arg2: memref<160256xi32, #tpu.memory_space<hbm>>, %arg3: memref<10112xi32, #tpu.memory_space<hbm>>, %arg4: memref<32x10112xi32, #tpu.memory_space<hbm>>, %arg5: memref<5008xi32, #tpu.memory_space<vmem>>, %arg6: memref<10112xi32, #tpu.memory_space<vmem>>) attributes {dimension_semantics = [#tpu.dimension_semantics<core_parallel>, #tpu.dimension_semantics<subcore_parallel>], iteration_bounds = array<i64: 2, 16>, scalar_prefetch = 0 : i64, scratch_operands = 2 : i64, tpu.core_type = #tpu.core_type<sc_vector_subcore>, window_params = [{transform_indices = #map}, {transform_indices = #map}, {transform_indices = #map1}]} {
    %mul3A = arith.constant 2 : i32
    %mul3A_0 = arith.muli %arg1, %mul3A : i32
    %add3A = arith.addi %mul3A_0, %arg0 : i32
    %mul3A_1 = arith.constant 313 : i32
    %mul3A_2 = arith.muli %add3A, %mul3A_1 : i32
    %mul3A_3 = arith.constant 16 : i32
    %mul3A_4 = arith.muli %mul3A_2, %mul3A_3 : i32
    "tpu.region"() ({
      %run_scoped3A = tpu.sem_alloc : memref<!tpu.dma_semaphore, #tpu.memory_space<semaphore_mem>>
      %dma_start3A = tpu.memref_slice %arg2[%mul3A_4] : memref<160256xi32, #tpu.memory_space<hbm>> -> memref<5008xi32, #tpu.memory_space<hbm>>
      %dma_start3A_11 = tpu.memref_slice %arg2[%mul3A_4] : memref<160256xi32, #tpu.memory_space<hbm>> -> memref<5008xi32, #tpu.memory_space<hbm>>
      tpu.enqueue_dma source(%dma_start3A_11 : memref<5008xi32, #tpu.memory_space<hbm>>) target(%arg5 : memref<5008xi32, #tpu.memory_space<vmem>>) target_semaphore(%run_scoped3A : memref<!tpu.dma_semaphore, #tpu.memory_space<semaphore_mem>>)
      %dma_wait3A = tpu.memref_slice %arg2[%mul3A_4] : memref<160256xi32, #tpu.memory_space<hbm>> -> memref<5008xi32, #tpu.memory_space<hbm>>
      %dma_wait3A_12 = tpu.memref_slice %arg2[%mul3A_4] : memref<160256xi32, #tpu.memory_space<hbm>> -> memref<5008xi32, #tpu.memory_space<hbm>>
      tpu.wait_dma2 semaphore(%run_scoped3A : memref<!tpu.dma_semaphore, #tpu.memory_space<semaphore_mem>>) src(%dma_wait3A_12 : memref<5008xi32, #tpu.memory_space<hbm>>) dst(%arg5 : memref<5008xi32, #tpu.memory_space<vmem>>)
      tpu.yield
    }) : () -> ()
    "tpu.region"() ({
      %run_scoped3A = tpu.sem_alloc : memref<!tpu.dma_semaphore, #tpu.memory_space<semaphore_mem>>
      tpu.enqueue_dma source(%arg3 : memref<10112xi32, #tpu.memory_space<hbm>>) target(%arg6 : memref<10112xi32, #tpu.memory_space<vmem>>) target_semaphore(%run_scoped3A : memref<!tpu.dma_semaphore, #tpu.memory_space<semaphore_mem>>)
      tpu.wait_dma2 semaphore(%run_scoped3A : memref<!tpu.dma_semaphore, #tpu.memory_space<semaphore_mem>>) src(%arg3 : memref<10112xi32, #tpu.memory_space<hbm>>) dst(%arg6 : memref<10112xi32, #tpu.memory_space<vmem>>)
      tpu.yield
    }) : () -> ()
    %broadcast_in_dim3A = arith.constant 1 : i32
    %broadcast_in_dim3A_5 = vector.broadcast %broadcast_in_dim3A : i32 to vector<16xi32>
    %scan3A = arith.constant 0 : i32
    %scan3A_6 = arith.constant 0 : i32
    %scan3A_7 = arith.constant 313 : i32
    %scan3A_8 = arith.addi %scan3A_6, %scan3A_7 : i32
    %scan3A_9 = arith.constant 1 : i32
    scf.for %scan3A_11 = %scan3A_6 to %scan3A_8 step %scan3A_9  : i32 {
      %mul3A_12 = arith.constant 16 : i32
      %mul3A_13 = arith.muli %scan3A_11, %mul3A_12 : i32
      %get3A = arith.index_cast %mul3A_13 : i32 to index
      %get3A_14 = tpu.vector_load %arg5[%get3A] {strides = array<i32>} : memref<5008xi32, #tpu.memory_space<vmem>>, vector<16xi32>,
      tpu.vector_store_idx %arg6[%get3A_14], %broadcast_in_dim3A_5 {add = true} : memref<10112xi32, #tpu.memory_space<vmem>>[vector<16xi32>], vector<16xi32>,
    }
    %scan3A_10 = arith.constant 313 : i32
    "tpu.region"() ({
      %run_scoped3A = tpu.sem_alloc : memref<!tpu.dma_semaphore, #tpu.memory_space<semaphore_mem>>
      %dma_start3A = arith.constant 0 : i32
      %dma_start3A_11 = tpu.memref_slice %arg4[%add3A, %dma_start3A] : memref<32x10112xi32, #tpu.memory_space<hbm>> -> memref<1x10112xi32, #tpu.memory_space<hbm>>
      %dma_start3A_12 = tpu.memref_squeeze %dma_start3A_11 : memref<1x10112xi32, #tpu.memory_space<hbm>> -> memref<10112xi32, #tpu.memory_space<hbm>>
      %dma_start3A_13 = arith.constant 0 : i32
      %dma_start3A_14 = tpu.memref_slice %arg4[%add3A, %dma_start3A_13] : memref<32x10112xi32, #tpu.memory_space<hbm>> -> memref<1x10112xi32, #tpu.memory_space<hbm>>
      %dma_start3A_15 = tpu.memref_squeeze %dma_start3A_14 : memref<1x10112xi32, #tpu.memory_space<hbm>> -> memref<10112xi32, #tpu.memory_space<hbm>>
      tpu.enqueue_dma source(%arg6 : memref<10112xi32, #tpu.memory_space<vmem>>) target(%dma_start3A_15 : memref<10112xi32, #tpu.memory_space<hbm>>) target_semaphore(%run_scoped3A : memref<!tpu.dma_semaphore, #tpu.memory_space<semaphore_mem>>)
      %dma_wait3A = arith.constant 0 : i32
      %dma_wait3A_16 = tpu.memref_slice %arg4[%add3A, %dma_wait3A] : memref<32x10112xi32, #tpu.memory_space<hbm>> -> memref<1x10112xi32, #tpu.memory_space<hbm>>
      %dma_wait3A_17 = tpu.memref_squeeze %dma_wait3A_16 : memref<1x10112xi32, #tpu.memory_space<hbm>> -> memref<10112xi32, #tpu.memory_space<hbm>>
      %dma_wait3A_18 = arith.constant 0 : i32
      %dma_wait3A_19 = tpu.memref_slice %arg4[%add3A, %dma_wait3A_18] : memref<32x10112xi32, #tpu.memory_space<hbm>> -> memref<1x10112xi32, #tpu.memory_space<hbm>>
      %dma_wait3A_20 = tpu.memref_squeeze %dma_wait3A_19 : memref<1x10112xi32, #tpu.memory_space<hbm>> -> memref<10112xi32, #tpu.memory_space<hbm>>
      tpu.wait_dma2 semaphore(%run_scoped3A : memref<!tpu.dma_semaphore, #tpu.memory_space<semaphore_mem>>) src(%arg6 : memref<10112xi32, #tpu.memory_space<vmem>>) dst(%dma_wait3A_20 : memref<10112xi32, #tpu.memory_space<hbm>>)
      tpu.yield
    }) : () -> ()
    return
  }
}

module attributes {stable_mosaic.version = 14 : i64} {
  func.func @_tc_weights_body(%arg0: memref<32x10112xi32, #tpu.memory_space<vmem>>, %arg1: memref<1x10112xi32, #tpu.memory_space<vmem>>, %arg2: memref<1x10112xf32, #tpu.memory_space<vmem>>, %arg3: memref<1x8xf32, #tpu.memory_space<vmem>>) attributes {dimension_semantics = [], scalar_prefetch = 0 : i64, scratch_operands = 0 : i64, tpu.core_type = #tpu.core_type<tc>} {
    %get3A = arith.constant 0 : index
    %get3A_0 = arith.constant 0 : index
    %get3A_1 = vector.load %arg0[%get3A, %get3A_0] : memref<32x10112xi32, #tpu.memory_space<vmem>>, vector<32x10112xi32>
    %reduce_sum3A = arith.constant dense<0> : vector<10112xi32>
    %reduce_sum3A_2 = vector.multi_reduction <add>, %get3A_1, %reduce_sum3A [0] : vector<32x10112xi32> to vector<10112xi32>
    %broadcast_in_dim3A = vector.shape_cast %reduce_sum3A_2 : vector<10112xi32> to vector<1x10112xi32>
    %max3A = arith.constant 1 : i32
    %max3A_3 = vector.broadcast %max3A : i32 to vector<1x10112xi32>
    %max3A_4 = arith.maxsi %broadcast_in_dim3A, %max3A_3 : vector<1x10112xi32>
    %convert_element_type3A = arith.sitofp %max3A_4 : vector<1x10112xi32> to vector<1x10112xf32>
    %div3A = arith.constant 1.000000e+00 : f32
    %div3A_5 = vector.broadcast %div3A : f32 to vector<1x10112xf32>
    %div3A_6 = arith.divf %div3A_5, %convert_element_type3A : vector<1x10112xf32>
    %swap3A = arith.constant 0 : index
    %swap3A_7 = arith.constant 0 : index
    %swap3A_8 = vector.load %arg2[%swap3A, %swap3A_7] : memref<1x10112xf32, #tpu.memory_space<vmem>>, vector<1x10112xf32>
    tpu.vector_store %arg2[%swap3A, %swap3A_7], %div3A_6 {strides = array<i32>} : memref<1x10112xf32, #tpu.memory_space<vmem>>, vector<1x10112xf32>,
    %iota3A = tpu.iota {dimensions = array<i32: 1>} : vector<1x10112xi32>
    %gt3A = arith.constant 0 : i32
    %gt3A_9 = vector.broadcast %gt3A : i32 to vector<1x10112xi32>
    %gt3A_10 = arith.cmpi sgt, %broadcast_in_dim3A, %gt3A_9 : vector<1x10112xi32>
    %lt3A = arith.constant 10000 : i32
    %lt3A_11 = vector.broadcast %lt3A : i32 to vector<1x10112xi32>
    %lt3A_12 = arith.cmpi slt, %iota3A, %lt3A_11 : vector<1x10112xi32>
    %and3A = arith.andi %gt3A_10, %lt3A_12 : vector<1x10112xi1>
    %get3A_13 = arith.constant 0 : index
    %get3A_14 = arith.constant 0 : index
    %get3A_15 = vector.load %arg1[%get3A_13, %get3A_14] : memref<1x10112xi32, #tpu.memory_space<vmem>>, vector<1x10112xi32>
    %eq3A = arith.constant 0 : i32
    %eq3A_16 = vector.broadcast %eq3A : i32 to vector<1x10112xi32>
    %eq3A_17 = arith.cmpi eq, %get3A_15, %eq3A_16 : vector<1x10112xi32>
    %and3A_18 = arith.andi %and3A, %eq3A_17 : vector<1x10112xi1>
    %convert_element_type3A_19 = arith.extui %and3A_18 : vector<1x10112xi1> to vector<1x10112xi32>
    %convert_element_type3A_20 = arith.sitofp %convert_element_type3A_19 : vector<1x10112xi32> to vector<1x10112xf32>
    %reduce_sum3A_21 = arith.constant dense<0.000000e+00> : vector<1xf32>
    %reduce_sum3A_22 = vector.multi_reduction <add>, %convert_element_type3A_20, %reduce_sum3A_21 [1] : vector<1x10112xf32> to vector<1xf32>
    %broadcast_in_dim3A_23 = vector.shape_cast %reduce_sum3A_22 : vector<1xf32> to vector<1x1xf32>
    %eq3A_24 = arith.constant 1 : i32
    %eq3A_25 = vector.broadcast %eq3A_24 : i32 to vector<1x10112xi32>
    %eq3A_26 = arith.cmpi eq, %get3A_15, %eq3A_25 : vector<1x10112xi32>
    %and3A_27 = arith.andi %and3A, %eq3A_26 : vector<1x10112xi1>
    %convert_element_type3A_28 = arith.extui %and3A_27 : vector<1x10112xi1> to vector<1x10112xi32>
    %convert_element_type3A_29 = arith.sitofp %convert_element_type3A_28 : vector<1x10112xi32> to vector<1x10112xf32>
    %reduce_sum3A_30 = arith.constant dense<0.000000e+00> : vector<1xf32>
    %reduce_sum3A_31 = vector.multi_reduction <add>, %convert_element_type3A_29, %reduce_sum3A_30 [1] : vector<1x10112xf32> to vector<1xf32>
    %broadcast_in_dim3A_32 = vector.shape_cast %reduce_sum3A_31 : vector<1xf32> to vector<1x1xf32>
    %eq3A_33 = arith.constant 2 : i32
    %eq3A_34 = vector.broadcast %eq3A_33 : i32 to vector<1x10112xi32>
    %eq3A_35 = arith.cmpi eq, %get3A_15, %eq3A_34 : vector<1x10112xi32>
    %and3A_36 = arith.andi %and3A, %eq3A_35 : vector<1x10112xi1>
    %convert_element_type3A_37 = arith.extui %and3A_36 : vector<1x10112xi1> to vector<1x10112xi32>
    %convert_element_type3A_38 = arith.sitofp %convert_element_type3A_37 : vector<1x10112xi32> to vector<1x10112xf32>
    %reduce_sum3A_39 = arith.constant dense<0.000000e+00> : vector<1xf32>
    %reduce_sum3A_40 = vector.multi_reduction <add>, %convert_element_type3A_38, %reduce_sum3A_39 [1] : vector<1x10112xf32> to vector<1xf32>
    %broadcast_in_dim3A_41 = vector.shape_cast %reduce_sum3A_40 : vector<1xf32> to vector<1x1xf32>
    %eq3A_42 = arith.constant 3 : i32
    %eq3A_43 = vector.broadcast %eq3A_42 : i32 to vector<1x10112xi32>
    %eq3A_44 = arith.cmpi eq, %get3A_15, %eq3A_43 : vector<1x10112xi32>
    %and3A_45 = arith.andi %and3A, %eq3A_44 : vector<1x10112xi1>
    %convert_element_type3A_46 = arith.extui %and3A_45 : vector<1x10112xi1> to vector<1x10112xi32>
    %convert_element_type3A_47 = arith.sitofp %convert_element_type3A_46 : vector<1x10112xi32> to vector<1x10112xf32>
    %reduce_sum3A_48 = arith.constant dense<0.000000e+00> : vector<1xf32>
    %reduce_sum3A_49 = vector.multi_reduction <add>, %convert_element_type3A_47, %reduce_sum3A_48 [1] : vector<1x10112xf32> to vector<1xf32>
    %broadcast_in_dim3A_50 = vector.shape_cast %reduce_sum3A_49 : vector<1xf32> to vector<1x1xf32>
    %eq3A_51 = arith.constant 4 : i32
    %eq3A_52 = vector.broadcast %eq3A_51 : i32 to vector<1x10112xi32>
    %eq3A_53 = arith.cmpi eq, %get3A_15, %eq3A_52 : vector<1x10112xi32>
    %and3A_54 = arith.andi %and3A, %eq3A_53 : vector<1x10112xi1>
    %convert_element_type3A_55 = arith.extui %and3A_54 : vector<1x10112xi1> to vector<1x10112xi32>
    %convert_element_type3A_56 = arith.sitofp %convert_element_type3A_55 : vector<1x10112xi32> to vector<1x10112xf32>
    %reduce_sum3A_57 = arith.constant dense<0.000000e+00> : vector<1xf32>
    %reduce_sum3A_58 = vector.multi_reduction <add>, %convert_element_type3A_56, %reduce_sum3A_57 [1] : vector<1x10112xf32> to vector<1xf32>
    %broadcast_in_dim3A_59 = vector.shape_cast %reduce_sum3A_58 : vector<1xf32> to vector<1x1xf32>
    %eq3A_60 = arith.constant 5 : i32
    %eq3A_61 = vector.broadcast %eq3A_60 : i32 to vector<1x10112xi32>
    %eq3A_62 = arith.cmpi eq, %get3A_15, %eq3A_61 : vector<1x10112xi32>
    %and3A_63 = arith.andi %and3A, %eq3A_62 : vector<1x10112xi1>
    %convert_element_type3A_64 = arith.extui %and3A_63 : vector<1x10112xi1> to vector<1x10112xi32>
    %convert_element_type3A_65 = arith.sitofp %convert_element_type3A_64 : vector<1x10112xi32> to vector<1x10112xf32>
    %reduce_sum3A_66 = arith.constant dense<0.000000e+00> : vector<1xf32>
    %reduce_sum3A_67 = vector.multi_reduction <add>, %convert_element_type3A_65, %reduce_sum3A_66 [1] : vector<1x10112xf32> to vector<1xf32>
    %broadcast_in_dim3A_68 = vector.shape_cast %reduce_sum3A_67 : vector<1xf32> to vector<1x1xf32>
    %eq3A_69 = arith.constant 6 : i32
    %eq3A_70 = vector.broadcast %eq3A_69 : i32 to vector<1x10112xi32>
    %eq3A_71 = arith.cmpi eq, %get3A_15, %eq3A_70 : vector<1x10112xi32>
    %and3A_72 = arith.andi %and3A, %eq3A_71 : vector<1x10112xi1>
    %convert_element_type3A_73 = arith.extui %and3A_72 : vector<1x10112xi1> to vector<1x10112xi32>
    %convert_element_type3A_74 = arith.sitofp %convert_element_type3A_73 : vector<1x10112xi32> to vector<1x10112xf32>
    %reduce_sum3A_75 = arith.constant dense<0.000000e+00> : vector<1xf32>
    %reduce_sum3A_76 = vector.multi_reduction <add>, %convert_element_type3A_74, %reduce_sum3A_75 [1] : vector<1x10112xf32> to vector<1xf32>
    %broadcast_in_dim3A_77 = vector.shape_cast %reduce_sum3A_76 : vector<1xf32> to vector<1x1xf32>
    %eq3A_78 = arith.constant 7 : i32
    %eq3A_79 = vector.broadcast %eq3A_78 : i32 to vector<1x10112xi32>
    %eq3A_80 = arith.cmpi eq, %get3A_15, %eq3A_79 : vector<1x10112xi32>
    %and3A_81 = arith.andi %and3A, %eq3A_80 : vector<1x10112xi1>
    %convert_element_type3A_82 = arith.extui %and3A_81 : vector<1x10112xi1> to vector<1x10112xi32>
    %convert_element_type3A_83 = arith.sitofp %convert_element_type3A_82 : vector<1x10112xi32> to vector<1x10112xf32>
    %reduce_sum3A_84 = arith.constant dense<0.000000e+00> : vector<1xf32>
    %reduce_sum3A_85 = vector.multi_reduction <add>, %convert_element_type3A_83, %reduce_sum3A_84 [1] : vector<1x10112xf32> to vector<1xf32>
    %broadcast_in_dim3A_86 = vector.shape_cast %reduce_sum3A_85 : vector<1xf32> to vector<1x1xf32>
    %concatenate3A = tpu.concatenate %broadcast_in_dim3A_23, %broadcast_in_dim3A_32, %broadcast_in_dim3A_41, %broadcast_in_dim3A_50, %broadcast_in_dim3A_59, %broadcast_in_dim3A_68, %broadcast_in_dim3A_77, %broadcast_in_dim3A_86 in 1 : vector<1x1xf32>, vector<1x1xf32>, vector<1x1xf32>, vector<1x1xf32>, vector<1x1xf32>, vector<1x1xf32>, vector<1x1xf32>, vector<1x1xf32> -> vector<1x8xf32>
    %swap3A_87 = arith.constant 0 : index
    %swap3A_88 = arith.constant 0 : index
    %swap3A_89 = vector.load %arg3[%swap3A_87, %swap3A_88] : memref<1x8xf32, #tpu.memory_space<vmem>>, vector<1x8xf32>
    tpu.vector_store %arg3[%swap3A_87, %swap3A_88], %concatenate3A {strides = array<i32>} : memref<1x8xf32, #tpu.memory_space<vmem>>, vector<1x8xf32>,
    return
  }
}

module attributes {stable_mosaic.version = 14 : i64} {
  func.func @_tc_main_body(%arg0: i32, %arg1: memref<16000x128xf32, #tpu.memory_space<vmem>>, %arg2: memref<3x16000xf32, #tpu.memory_space<vmem>>, %arg3: memref<1x16000xf32, #tpu.memory_space<vmem>>, %arg4: memref<1x16000xi32, #tpu.memory_space<vmem>>, %arg5: memref<128x128xf32, #tpu.memory_space<vmem>>, %arg6: memref<1x128xf32, #tpu.memory_space<vmem>>, %arg7: memref<128x1xf32, #tpu.memory_space<vmem>>, %arg8: memref<128x128xf32, #tpu.memory_space<vmem>>, %arg9: memref<1x128xf32, #tpu.memory_space<vmem>>, %arg10: memref<128x1xf32, #tpu.memory_space<vmem>>, %arg11: memref<1x2xf32, #tpu.memory_space<vmem>>, %arg12: memref<6x9xf32, #tpu.memory_space<vmem>>, %arg13: memref<8x1xf32, #tpu.memory_space<vmem>>, %arg14: memref<8x9xf32, #tpu.memory_space<vmem>>, %arg15: memref<8x6xf32, #tpu.memory_space<vmem>>) attributes {dimension_semantics = [#tpu.dimension_semantics<arbitrary>], iteration_bounds = array<i64: 10>, scalar_prefetch = 0 : i64, scratch_operands = 1 : i64, tpu.core_type = #tpu.core_type<tc>, window_params = [{transform_indices = @transform_0, window_bounds = array<i64: 16000, 128>}, {transform_indices = @transform_1, window_bounds = array<i64: 3, 16000>}, {transform_indices = @transform_2, window_bounds = array<i64: 1, 16000>}, {transform_indices = @transform_3, window_bounds = array<i64: 1, 16000>}, {pipeline_mode = #tpu.pipeline_mode<synchronous>, transform_indices = @transform_4, window_bounds = array<i64: 128, 128>}, {pipeline_mode = #tpu.pipeline_mode<synchronous>, transform_indices = @transform_5, window_bounds = array<i64: 1, 128>}, {pipeline_mode = #tpu.pipeline_mode<synchronous>, transform_indices = @transform_6, window_bounds = array<i64: 128, 1>}, {pipeline_mode = #tpu.pipeline_mode<synchronous>, transform_indices = @transform_7, window_bounds = array<i64: 128, 128>}, {pipeline_mode = #tpu.pipeline_mode<synchronous>, transform_indices = @transform_8, window_bounds = array<i64: 1, 128>}, {pipeline_mode = #tpu.pipeline_mode<synchronous>, transform_indices = @transform_9, window_bounds = array<i64: 128, 1>}, {pipeline_mode = #tpu.pipeline_mode<synchronous>, transform_indices = @transform_10, window_bounds = array<i64: 1, 2>}, {pipeline_mode = #tpu.pipeline_mode<synchronous>, transform_indices = @transform_11, window_bounds = array<i64: 6, 9>}, {pipeline_mode = #tpu.pipeline_mode<synchronous>, transform_indices = @transform_12, window_bounds = array<i64: 8, 1>}, {pipeline_mode = #tpu.pipeline_mode<synchronous>, transform_indices = @transform_13, window_bounds = array<i64: 8, 9>}]} {
    %get3A = arith.constant 0 : index
    %get3A_0 = arith.constant 0 : index
    %get3A_1 = vector.load %arg4[%get3A, %get3A_0] : memref<1x16000xi32, #tpu.memory_space<vmem>>, vector<1x16000xi32>
    %iota3A = tpu.iota {dimensions = array<i32: 0>} : vector<8x1xi32>
    %eq3A = vector.broadcast %get3A_1 : vector<1x16000xi32> to vector<8x16000xi32>
    %eq3A_2 = vector.broadcast %iota3A : vector<8x1xi32> to vector<8x16000xi32>
    %eq3A_3 = arith.cmpi eq, %eq3A, %eq3A_2 : vector<8x16000xi32>
    %get3A_4 = arith.constant 0 : index
    %get3A_5 = arith.constant 0 : index
    %get3A_6 = vector.load %arg3[%get3A_4, %get3A_5] : memref<1x16000xf32, #tpu.memory_space<vmem>>, vector<1x16000xf32>
    %jit3A = arith.constant 0.000000e+00 : f32
    %broadcast_in_dim3A = vector.shape_cast %get3A_6 : vector<1x16000xf32> to vector<1x16000xf32>
    %broadcast_in_dim3A_7 = vector.broadcast %broadcast_in_dim3A : vector<1x16000xf32> to vector<8x16000xf32>
    %broadcast_in_dim3A_8 = vector.broadcast %jit3A : f32 to vector<8x16000xf32>
    %select_n3A = arith.select %eq3A_3, %broadcast_in_dim3A_7, %broadcast_in_dim3A_8 : vector<8x16000xi1>, vector<8x16000xf32>
    %convert_element_type3A = arith.truncf %select_n3A : vector<8x16000xf32> to vector<8x16000xbf16>
    %get3A_9 = arith.constant 0 : index
    %get3A_10 = arith.constant 0 : index
    %get3A_11 = vector.load %arg1[%get3A_9, %get3A_10] : memref<16000x128xf32, #tpu.memory_space<vmem>>, vector<16000x128xf32>
    %convert_element_type3A_12 = arith.truncf %get3A_11 : vector<16000x128xf32> to vector<16000x128xbf16>
    %get3A_13 = arith.constant 0 : index
    %get3A_14 = arith.constant 0 : index
    %get3A_15 = vector.load %arg5[%get3A_13, %get3A_14] : memref<128x128xf32, #tpu.memory_space<vmem>>, vector<128x128xf32>
    %convert_element_type3A_16 = arith.truncf %get3A_15 : vector<128x128xf32> to vector<128x128xbf16>
    %dot_general3A = arith.constant dense<0.000000e+00> : vector<16000x128xf32>
    %dot_general3A_17 = tpu.matmul %convert_element_type3A_12, %convert_element_type3A_16, %dot_general3A {dimension_numbers = #tpu.dot_dimension_numbers<[1], [0], [0], [1], [0, 0, 1, 1], [], []>, transpose_lhs_hint = false} : vector<16000x128xbf16>, vector<128x128xbf16>, vector<16000x128xf32> -> vector<16000x128xf32>
    %convert_element_type3A_18 = arith.truncf %dot_general3A_17 : vector<16000x128xf32> to vector<16000x128xbf16>
    %get3A_19 = arith.constant 0 : index
    %get3A_20 = arith.constant 0 : index
    %get3A_21 = vector.load %arg6[%get3A_19, %get3A_20] : memref<1x128xf32, #tpu.memory_space<vmem>>, vector<1x128xf32>
    %convert_element_type3A_22 = arith.truncf %get3A_21 : vector<1x128xf32> to vector<1x128xbf16>
    %add3A = vector.broadcast %convert_element_type3A_22 : vector<1x128xbf16> to vector<16000x128xbf16>
    %add3A_23 = arith.addf %convert_element_type3A_18, %add3A : vector<16000x128xbf16>
    %tanh3A = math.tanh %add3A_23 : vector<16000x128xbf16>
    %mul3A = arith.mulf %add3A_23, %tanh3A : vector<16000x128xbf16>
    %add3A_24 = arith.addf %mul3A, %add3A_23 : vector<16000x128xbf16>
    %get3A_25 = arith.constant 0 : index
    %get3A_26 = arith.constant 0 : index
    %get3A_27 = vector.load %arg7[%get3A_25, %get3A_26] : memref<128x1xf32, #tpu.memory_space<vmem>>, vector<128x1xf32>
    %dot_general3A_28 = arith.constant dense<0.000000e+00> : vector<8x128xf32>
    %dot_general3A_29 = tpu.matmul %convert_element_type3A, %add3A_24, %dot_general3A_28 {dimension_numbers = #tpu.dot_dimension_numbers<[1], [0], [0], [1], [0, 0, 1, 1], [], []>, transpose_lhs_hint = false} : vector<8x16000xbf16>, vector<16000x128xbf16>, vector<8x128xf32> -> vector<8x128xf32>
    %dot_general3A_30 = arith.constant dense<0.000000e+00> : vector<8x1xf32>
    %dot_general3A_31 = tpu.matmul %dot_general3A_29, %get3A_27, %dot_general3A_30 {dimension_numbers = #tpu.dot_dimension_numbers<[1], [0], [0], [1], [0, 0, 1, 1], [], []>, transpose_lhs_hint = false} : vector<8x128xf32>, vector<128x1xf32>, vector<8x1xf32> -> vector<8x1xf32>
    %get3A_32 = arith.constant 0 : index
    %get3A_33 = arith.constant 0 : index
    %get3A_34 = vector.load %arg8[%get3A_32, %get3A_33] : memref<128x128xf32, #tpu.memory_space<vmem>>, vector<128x128xf32>
    %convert_element_type3A_35 = arith.truncf %get3A_34 : vector<128x128xf32> to vector<128x128xbf16>
    %dot_general3A_36 = arith.constant dense<0.000000e+00> : vector<16000x128xf32>
    %dot_general3A_37 = tpu.matmul %convert_element_type3A_12, %convert_element_type3A_35, %dot_general3A_36 {dimension_numbers = #tpu.dot_dimension_numbers<[1], [0], [0], [1], [0, 0, 1, 1], [], []>, transpose_lhs_hint = false} : vector<16000x128xbf16>, vector<128x128xbf16>, vector<16000x128xf32> -> vector<16000x128xf32>
    %convert_element_type3A_38 = arith.truncf %dot_general3A_37 : vector<16000x128xf32> to vector<16000x128xbf16>
    %get3A_39 = arith.constant 0 : index
    %get3A_40 = arith.constant 0 : index
    %get3A_41 = vector.load %arg2[%get3A_39, %get3A_40] : memref<3x16000xf32, #tpu.memory_space<vmem>>, vector<3x16000xf32>
    %slice3A = vector.extract_strided_slice %get3A_41 {offsets = [0, 0], sizes = [1, 16000], strides = [1, 1]} : vector<3x16000xf32> to vector<1x16000xf32>
    %slice3A_42 = vector.extract_strided_slice %get3A_41 {offsets = [1, 0], sizes = [1, 16000], strides = [1, 1]} : vector<3x16000xf32> to vector<1x16000xf32>
    %slice3A_43 = vector.extract_strided_slice %get3A_41 {offsets = [2, 0], sizes = [1, 16000], strides = [1, 1]} : vector<3x16000xf32> to vector<1x16000xf32>
    %mul3A_44 = arith.mulf %slice3A, %slice3A : vector<1x16000xf32>
    %mul3A_45 = arith.mulf %slice3A_42, %slice3A_42 : vector<1x16000xf32>
    %add3A_46 = arith.addf %mul3A_44, %mul3A_45 : vector<1x16000xf32>
    %mul3A_47 = arith.mulf %slice3A_43, %slice3A_43 : vector<1x16000xf32>
    %add3A_48 = arith.addf %add3A_46, %mul3A_47 : vector<1x16000xf32>
    %sqrt3A = math.sqrt %add3A_48 : vector<1x16000xf32>
    %add3A_49 = arith.constant 9.99999996E-13 : f32
    %add3A_50 = vector.broadcast %add3A_49 : f32 to vector<1x16000xf32>
    %add3A_51 = arith.addf %sqrt3A, %add3A_50 : vector<1x16000xf32>
    %div3A = arith.constant 1.000000e+00 : f32
    %div3A_52 = vector.broadcast %div3A : f32 to vector<1x16000xf32>
    %div3A_53 = arith.divf %div3A_52, %add3A_51 : vector<1x16000xf32>
    %mul3A_54 = arith.mulf %slice3A, %div3A_53 : vector<1x16000xf32>
    %mul3A_55 = arith.mulf %slice3A_42, %div3A_53 : vector<1x16000xf32>
    %mul3A_56 = arith.mulf %slice3A_43, %div3A_53 : vector<1x16000xf32>
    %mul3A_57 = arith.constant 1.09254849 : f32
    %mul3A_58 = vector.broadcast %mul3A_57 : f32 to vector<1x16000xf32>
    %mul3A_59 = arith.mulf %mul3A_58, %mul3A_54 : vector<1x16000xf32>
    %mul3A_60 = arith.mulf %mul3A_59, %mul3A_56 : vector<1x16000xf32>
    %mul3A_61 = arith.constant 1.09254849 : f32
    %mul3A_62 = vector.broadcast %mul3A_61 : f32 to vector<1x16000xf32>
    %mul3A_63 = arith.mulf %mul3A_62, %mul3A_54 : vector<1x16000xf32>
    %mul3A_64 = arith.mulf %mul3A_63, %mul3A_55 : vector<1x16000xf32>
    %mul3A_65 = arith.mulf %mul3A_55, %mul3A_55 : vector<1x16000xf32>
    %mul3A_66 = arith.mulf %mul3A_54, %mul3A_54 : vector<1x16000xf32>
    %mul3A_67 = arith.mulf %mul3A_56, %mul3A_56 : vector<1x16000xf32>
    %add3A_68 = arith.addf %mul3A_66, %mul3A_67 : vector<1x16000xf32>
    %mul3A_69 = arith.constant 5.000000e-01 : f32
    %mul3A_70 = vector.broadcast %mul3A_69 : f32 to vector<1x16000xf32>
    %mul3A_71 = arith.mulf %mul3A_70, %add3A_68 : vector<1x16000xf32>
    %sub3A = arith.subf %mul3A_65, %mul3A_71 : vector<1x16000xf32>
    %mul3A_72 = arith.constant 0.63078314 : f32
    %mul3A_73 = vector.broadcast %mul3A_72 : f32 to vector<1x16000xf32>
    %mul3A_74 = arith.mulf %mul3A_73, %sub3A : vector<1x16000xf32>
    %mul3A_75 = arith.constant 1.09254849 : f32
    %mul3A_76 = vector.broadcast %mul3A_75 : f32 to vector<1x16000xf32>
    %mul3A_77 = arith.mulf %mul3A_76, %mul3A_55 : vector<1x16000xf32>
    %mul3A_78 = arith.mulf %mul3A_77, %mul3A_56 : vector<1x16000xf32>
    %mul3A_79 = arith.mulf %mul3A_56, %mul3A_56 : vector<1x16000xf32>
    %mul3A_80 = arith.mulf %mul3A_54, %mul3A_54 : vector<1x16000xf32>
    %sub3A_81 = arith.subf %mul3A_79, %mul3A_80 : vector<1x16000xf32>
    %mul3A_82 = arith.constant 0.546274245 : f32
    %mul3A_83 = vector.broadcast %mul3A_82 : f32 to vector<1x16000xf32>
    %mul3A_84 = arith.mulf %mul3A_83, %sub3A_81 : vector<1x16000xf32>
    %concatenate3A = tpu.concatenate %mul3A_60, %mul3A_64, %mul3A_74, %mul3A_78, %mul3A_84 in 0 : vector<1x16000xf32>, vector<1x16000xf32>, vector<1x16000xf32>, vector<1x16000xf32>, vector<1x16000xf32> -> vector<5x16000xf32>
    %convert_element_type3A_85 = arith.truncf %concatenate3A : vector<5x16000xf32> to vector<5x16000xbf16>
    %iota3A_86 = tpu.iota {dimensions = array<i32: 0>} : vector<5x5xi32>
    %iota3A_87 = tpu.iota {dimensions = array<i32: 1>} : vector<5x5xi32>
    %add3A_88 = arith.constant 0 : i32
    %add3A_89 = vector.broadcast %add3A_88 : i32 to vector<5x5xi32>
    %add3A_90 = arith.addi %iota3A_86, %add3A_89 : vector<5x5xi32>
    %eq3A_91 = arith.cmpi eq, %add3A_90, %iota3A_87 : vector<5x5xi32>
    %convert_element_type3A_92 = arith.extui %eq3A_91 : vector<5x5xi1> to vector<5x5xi32>
    %convert_element_type3A_93 = arith.sitofp %convert_element_type3A_92 : vector<5x5xi32> to vector<5x5xf32>
    %convert_element_type3A_94 = arith.truncf %convert_element_type3A_93 : vector<5x5xf32> to vector<5x5xbf16>
    %dot_general3A_95 = arith.constant dense<0.000000e+00> : vector<16000x5xf32>
    %dot_general3A_96 = tpu.matmul %convert_element_type3A_85, %convert_element_type3A_94, %dot_general3A_95 {dimension_numbers = #tpu.dot_dimension_numbers<[0], [0], [1], [1], [0, 1, 1, 1], [], []>, transpose_lhs_hint = true} : vector<5x16000xbf16>, vector<5x5xbf16>, vector<16000x5xf32> -> vector<16000x5xf32>
    %convert_element_type3A_97 = arith.truncf %dot_general3A_96 : vector<16000x5xf32> to vector<16000x5xbf16>
    %get3A_98 = arith.constant 0 : index
    %get3A_99 = arith.constant 0 : index
    %get3A_100 = vector.load %arg9[%get3A_98, %get3A_99] : memref<1x128xf32, #tpu.memory_space<vmem>>, vector<1x128xf32>
    %convert_element_type3A_101 = arith.truncf %get3A_100 : vector<1x128xf32> to vector<1x128xbf16>
    %get3A_102 = arith.constant 0 : index
    %get3A_103 = arith.constant 0 : index
    %get3A_104 = vector.load %arg10[%get3A_102, %get3A_103] : memref<128x1xf32, #tpu.memory_space<vmem>>, vector<128x1xf32>
    %slice3A_105 = vector.extract_strided_slice %convert_element_type3A_97 {offsets = [0, 0], sizes = [16000, 1], strides = [1, 1]} : vector<16000x5xbf16> to vector<16000x1xbf16>
    %mul3A_106 = vector.broadcast %slice3A_105 : vector<16000x1xbf16> to vector<16000x128xbf16>
    %mul3A_107 = arith.mulf %mul3A_106, %convert_element_type3A_38 : vector<16000x128xbf16>
    %add3A_108 = vector.broadcast %convert_element_type3A_101 : vector<1x128xbf16> to vector<16000x128xbf16>
    %add3A_109 = arith.addf %mul3A_107, %add3A_108 : vector<16000x128xbf16>
    %tanh3A_110 = math.tanh %add3A_109 : vector<16000x128xbf16>
    %mul3A_111 = arith.mulf %add3A_109, %tanh3A_110 : vector<16000x128xbf16>
    %add3A_112 = arith.addf %mul3A_111, %add3A_109 : vector<16000x128xbf16>
    %dot_general3A_113 = arith.constant dense<0.000000e+00> : vector<8x128xf32>
    %dot_general3A_114 = tpu.matmul %convert_element_type3A, %add3A_112, %dot_general3A_113 {dimension_numbers = #tpu.dot_dimension_numbers<[1], [0], [0], [1], [0, 0, 1, 1], [], []>, transpose_lhs_hint = false} : vector<8x16000xbf16>, vector<16000x128xbf16>, vector<8x128xf32> -> vector<8x128xf32>
    %dot_general3A_115 = arith.constant dense<0.000000e+00> : vector<8x1xf32>
    %dot_general3A_116 = tpu.matmul %dot_general3A_114, %get3A_104, %dot_general3A_115 {dimension_numbers = #tpu.dot_dimension_numbers<[1], [0], [0], [1], [0, 0, 1, 1], [], []>, transpose_lhs_hint = false} : vector<8x128xf32>, vector<128x1xf32>, vector<8x1xf32> -> vector<8x1xf32>
    %slice3A_117 = vector.extract_strided_slice %convert_element_type3A_97 {offsets = [0, 1], sizes = [16000, 1], strides = [1, 1]} : vector<16000x5xbf16> to vector<16000x1xbf16>
    %mul3A_118 = vector.broadcast %slice3A_117 : vector<16000x1xbf16> to vector<16000x128xbf16>
    %mul3A_119 = arith.mulf %mul3A_118, %convert_element_type3A_38 : vector<16000x128xbf16>
    %add3A_120 = vector.broadcast %convert_element_type3A_101 : vector<1x128xbf16> to vector<16000x128xbf16>
    %add3A_121 = arith.addf %mul3A_119, %add3A_120 : vector<16000x128xbf16>
    %tanh3A_122 = math.tanh %add3A_121 : vector<16000x128xbf16>
    %mul3A_123 = arith.mulf %add3A_121, %tanh3A_122 : vector<16000x128xbf16>
    %add3A_124 = arith.addf %mul3A_123, %add3A_121 : vector<16000x128xbf16>
    %dot_general3A_125 = arith.constant dense<0.000000e+00> : vector<8x128xf32>
    %dot_general3A_126 = tpu.matmul %convert_element_type3A, %add3A_124, %dot_general3A_125 {dimension_numbers = #tpu.dot_dimension_numbers<[1], [0], [0], [1], [0, 0, 1, 1], [], []>, transpose_lhs_hint = false} : vector<8x16000xbf16>, vector<16000x128xbf16>, vector<8x128xf32> -> vector<8x128xf32>
    %dot_general3A_127 = arith.constant dense<0.000000e+00> : vector<8x1xf32>
    %dot_general3A_128 = tpu.matmul %dot_general3A_126, %get3A_104, %dot_general3A_127 {dimension_numbers = #tpu.dot_dimension_numbers<[1], [0], [0], [1], [0, 0, 1, 1], [], []>, transpose_lhs_hint = false} : vector<8x128xf32>, vector<128x1xf32>, vector<8x1xf32> -> vector<8x1xf32>
    %slice3A_129 = vector.extract_strided_slice %convert_element_type3A_97 {offsets = [0, 2], sizes = [16000, 1], strides = [1, 1]} : vector<16000x5xbf16> to vector<16000x1xbf16>
    %mul3A_130 = vector.broadcast %slice3A_129 : vector<16000x1xbf16> to vector<16000x128xbf16>
    %mul3A_131 = arith.mulf %mul3A_130, %convert_element_type3A_38 : vector<16000x128xbf16>
    %add3A_132 = vector.broadcast %convert_element_type3A_101 : vector<1x128xbf16> to vector<16000x128xbf16>
    %add3A_133 = arith.addf %mul3A_131, %add3A_132 : vector<16000x128xbf16>
    %tanh3A_134 = math.tanh %add3A_133 : vector<16000x128xbf16>
    %mul3A_135 = arith.mulf %add3A_133, %tanh3A_134 : vector<16000x128xbf16>
    %add3A_136 = arith.addf %mul3A_135, %add3A_133 : vector<16000x128xbf16>
    %dot_general3A_137 = arith.constant dense<0.000000e+00> : vector<8x128xf32>
    %dot_general3A_138 = tpu.matmul %convert_element_type3A, %add3A_136, %dot_general3A_137 {dimension_numbers = #tpu.dot_dimension_numbers<[1], [0], [0], [1], [0, 0, 1, 1], [], []>, transpose_lhs_hint = false} : vector<8x16000xbf16>, vector<16000x128xbf16>, vector<8x128xf32> -> vector<8x128xf32>
    %dot_general3A_139 = arith.constant dense<0.000000e+00> : vector<8x1xf32>
    %dot_general3A_140 = tpu.matmul %dot_general3A_138, %get3A_104, %dot_general3A_139 {dimension_numbers = #tpu.dot_dimension_numbers<[1], [0], [0], [1], [0, 0, 1, 1], [], []>, transpose_lhs_hint = false} : vector<8x128xf32>, vector<128x1xf32>, vector<8x1xf32> -> vector<8x1xf32>
    %slice3A_141 = vector.extract_strided_slice %convert_element_type3A_97 {offsets = [0, 3], sizes = [16000, 1], strides = [1, 1]} : vector<16000x5xbf16> to vector<16000x1xbf16>
    %mul3A_142 = vector.broadcast %slice3A_141 : vector<16000x1xbf16> to vector<16000x128xbf16>
    %mul3A_143 = arith.mulf %mul3A_142, %convert_element_type3A_38 : vector<16000x128xbf16>
    %add3A_144 = vector.broadcast %convert_element_type3A_101 : vector<1x128xbf16> to vector<16000x128xbf16>
    %add3A_145 = arith.addf %mul3A_143, %add3A_144 : vector<16000x128xbf16>
    %tanh3A_146 = math.tanh %add3A_145 : vector<16000x128xbf16>
    %mul3A_147 = arith.mulf %add3A_145, %tanh3A_146 : vector<16000x128xbf16>
    %add3A_148 = arith.addf %mul3A_147, %add3A_145 : vector<16000x128xbf16>
    %dot_general3A_149 = arith.constant dense<0.000000e+00> : vector<8x128xf32>
    %dot_general3A_150 = tpu.matmul %convert_element_type3A, %add3A_148, %dot_general3A_149 {dimension_numbers = #tpu.dot_dimension_numbers<[1], [0], [0], [1], [0, 0, 1, 1], [], []>, transpose_lhs_hint = false} : vector<8x16000xbf16>, vector<16000x128xbf16>, vector<8x128xf32> -> vector<8x128xf32>
    %dot_general3A_151 = arith.constant dense<0.000000e+00> : vector<8x1xf32>
    %dot_general3A_152 = tpu.matmul %dot_general3A_150, %get3A_104, %dot_general3A_151 {dimension_numbers = #tpu.dot_dimension_numbers<[1], [0], [0], [1], [0, 0, 1, 1], [], []>, transpose_lhs_hint = false} : vector<8x128xf32>, vector<128x1xf32>, vector<8x1xf32> -> vector<8x1xf32>
    %slice3A_153 = vector.extract_strided_slice %convert_element_type3A_97 {offsets = [0, 4], sizes = [16000, 1], strides = [1, 1]} : vector<16000x5xbf16> to vector<16000x1xbf16>
    %mul3A_154 = vector.broadcast %slice3A_153 : vector<16000x1xbf16> to vector<16000x128xbf16>
    %mul3A_155 = arith.mulf %mul3A_154, %convert_element_type3A_38 : vector<16000x128xbf16>
    %add3A_156 = vector.broadcast %convert_element_type3A_101 : vector<1x128xbf16> to vector<16000x128xbf16>
    %add3A_157 = arith.addf %mul3A_155, %add3A_156 : vector<16000x128xbf16>
    %tanh3A_158 = math.tanh %add3A_157 : vector<16000x128xbf16>
    %mul3A_159 = arith.mulf %add3A_157, %tanh3A_158 : vector<16000x128xbf16>
    %add3A_160 = arith.addf %mul3A_159, %add3A_157 : vector<16000x128xbf16>
    %dot_general3A_161 = arith.constant dense<0.000000e+00> : vector<8x128xf32>
    %dot_general3A_162 = tpu.matmul %convert_element_type3A, %add3A_160, %dot_general3A_161 {dimension_numbers = #tpu.dot_dimension_numbers<[1], [0], [0], [1], [0, 0, 1, 1], [], []>, transpose_lhs_hint = false} : vector<8x16000xbf16>, vector<16000x128xbf16>, vector<8x128xf32> -> vector<8x128xf32>
    %dot_general3A_163 = arith.constant dense<0.000000e+00> : vector<8x1xf32>
    %dot_general3A_164 = tpu.matmul %dot_general3A_162, %get3A_104, %dot_general3A_163 {dimension_numbers = #tpu.dot_dimension_numbers<[1], [0], [0], [1], [0, 0, 1, 1], [], []>, transpose_lhs_hint = false} : vector<8x128xf32>, vector<128x1xf32>, vector<8x1xf32> -> vector<8x1xf32>
    %concatenate3A_165 = tpu.concatenate %dot_general3A_31, %dot_general3A_116, %dot_general3A_128, %dot_general3A_140, %dot_general3A_152, %dot_general3A_164 in 1 : vector<8x1xf32>, vector<8x1xf32>, vector<8x1xf32>, vector<8x1xf32>, vector<8x1xf32>, vector<8x1xf32> -> vector<8x6xf32>
    %eq3A_166 = arith.constant 0 : i32
    %eq3A_167 = arith.cmpi eq, %arg0, %eq3A_166 : i32
    %convert_element_type3A_168 = arith.extui %eq3A_167 : i1 to i32
    %cond3A = arith.constant 0 : i32
    %cond3A_169 = arith.cmpi ne, %convert_element_type3A_168, %cond3A : i32
    scf.if %cond3A_169 {
      %swap3A = arith.constant 0 : index
      %swap3A_179 = arith.constant 0 : index
      %swap3A_180 = vector.load %arg15[%swap3A, %swap3A_179] : memref<8x6xf32, #tpu.memory_space<vmem>>, vector<8x6xf32>
      tpu.vector_store %arg15[%swap3A, %swap3A_179], %concatenate3A_165 {strides = array<i32>} : memref<8x6xf32, #tpu.memory_space<vmem>>, vector<8x6xf32>,
    } else {
    }
    %gt3A = arith.constant 0 : i32
    %gt3A_170 = arith.cmpi sgt, %arg0, %gt3A : i32
    %convert_element_type3A_171 = arith.extui %gt3A_170 : i1 to i32
    %cond3A_172 = arith.constant 0 : i32
    %cond3A_173 = arith.cmpi ne, %convert_element_type3A_171, %cond3A_172 : i32
    scf.if %cond3A_173 {
      %get3A_179 = arith.constant 0 : index
      %get3A_180 = arith.constant 0 : index
      %get3A_181 = vector.load %arg15[%get3A_179, %get3A_180] : memref<8x6xf32, #tpu.memory_space<vmem>>, vector<8x6xf32>
      %add3A_182 = arith.addf %get3A_181, %concatenate3A_165 : vector<8x6xf32>
      %swap3A = arith.constant 0 : index
      %swap3A_183 = arith.constant 0 : index
      %swap3A_184 = vector.load %arg15[%swap3A, %swap3A_183] : memref<8x6xf32, #tpu.memory_space<vmem>>, vector<8x6xf32>
      tpu.vector_store %arg15[%swap3A, %swap3A_183], %add3A_182 {strides = array<i32>} : memref<8x6xf32, #tpu.memory_space<vmem>>, vector<8x6xf32>,
    } else {
    }
    %eq3A_174 = arith.constant 9 : i32
    %eq3A_175 = arith.cmpi eq, %arg0, %eq3A_174 : i32
    %convert_element_type3A_176 = arith.extui %eq3A_175 : i1 to i32
    %cond3A_177 = arith.constant 0 : i32
    %cond3A_178 = arith.cmpi ne, %convert_element_type3A_176, %cond3A_177 : i32
    scf.if %cond3A_178 {
      %get3A_179 = arith.constant 0 : index
      %get3A_180 = arith.constant 0 : index
      %get3A_181 = vector.load %arg11[%get3A_179, %get3A_180] : memref<1x2xf32, #tpu.memory_space<vmem>>, vector<1x1xf32>
      %get3A_182 = arith.constant 0 : index
      %get3A_183 = arith.constant 1 : index
      %get3A_184 = vector.load %arg11[%get3A_182, %get3A_183] : memref<1x2xf32, #tpu.memory_space<vmem>>, vector<1x1xf32>
      %concatenate3A_185 = tpu.concatenate %get3A_181, %get3A_184, %get3A_184, %get3A_184, %get3A_184, %get3A_184 in 1 : vector<1x1xf32>, vector<1x1xf32>, vector<1x1xf32>, vector<1x1xf32>, vector<1x1xf32>, vector<1x1xf32> -> vector<1x6xf32>
      %get3A_186 = arith.constant 0 : index
      %get3A_187 = arith.constant 0 : index
      %get3A_188 = vector.load %arg15[%get3A_186, %get3A_187] : memref<8x6xf32, #tpu.memory_space<vmem>>, vector<8x6xf32>
      %get3A_189 = arith.constant 0 : index
      %get3A_190 = arith.constant 0 : index
      %get3A_191 = vector.load %arg13[%get3A_189, %get3A_190] : memref<8x1xf32, #tpu.memory_space<vmem>>, vector<8x1xf32>
      %mul3A_192 = vector.broadcast %get3A_191 : vector<8x1xf32> to vector<8x6xf32>
      %mul3A_193 = vector.broadcast %concatenate3A_185 : vector<1x6xf32> to vector<8x6xf32>
      %mul3A_194 = arith.mulf %mul3A_192, %mul3A_193 : vector<8x6xf32>
      %add3A_195 = arith.addf %get3A_188, %mul3A_194 : vector<8x6xf32>
      %get3A_196 = arith.constant 0 : index
      %get3A_197 = arith.constant 0 : index
      %get3A_198 = vector.load %arg12[%get3A_196, %get3A_197] : memref<6x9xf32, #tpu.memory_space<vmem>>, vector<6x9xf32>
      %slice3A_199 = vector.extract_strided_slice %add3A_195 {offsets = [0, 0], sizes = [8, 1], strides = [1, 1]} : vector<8x6xf32> to vector<8x1xf32>
      %slice3A_200 = vector.extract_strided_slice %get3A_198 {offsets = [0, 0], sizes = [1, 9], strides = [1, 1]} : vector<6x9xf32> to vector<1x9xf32>
      %mul3A_201 = vector.broadcast %slice3A_199 : vector<8x1xf32> to vector<8x9xf32>
      %mul3A_202 = vector.broadcast %slice3A_200 : vector<1x9xf32> to vector<8x9xf32>
      %mul3A_203 = arith.mulf %mul3A_201, %mul3A_202 : vector<8x9xf32>
      %slice3A_204 = vector.extract_strided_slice %add3A_195 {offsets = [0, 1], sizes = [8, 1], strides = [1, 1]} : vector<8x6xf32> to vector<8x1xf32>
      %slice3A_205 = vector.extract_strided_slice %get3A_198 {offsets = [1, 0], sizes = [1, 9], strides = [1, 1]} : vector<6x9xf32> to vector<1x9xf32>
      %mul3A_206 = vector.broadcast %slice3A_204 : vector<8x1xf32> to vector<8x9xf32>
      %mul3A_207 = vector.broadcast %slice3A_205 : vector<1x9xf32> to vector<8x9xf32>
      %mul3A_208 = arith.mulf %mul3A_206, %mul3A_207 : vector<8x9xf32>
      %add3A_209 = arith.addf %mul3A_203, %mul3A_208 : vector<8x9xf32>
      %slice3A_210 = vector.extract_strided_slice %add3A_195 {offsets = [0, 2], sizes = [8, 1], strides = [1, 1]} : vector<8x6xf32> to vector<8x1xf32>
      %slice3A_211 = vector.extract_strided_slice %get3A_198 {offsets = [2, 0], sizes = [1, 9], strides = [1, 1]} : vector<6x9xf32> to vector<1x9xf32>
      %mul3A_212 = vector.broadcast %slice3A_210 : vector<8x1xf32> to vector<8x9xf32>
      %mul3A_213 = vector.broadcast %slice3A_211 : vector<1x9xf32> to vector<8x9xf32>
      %mul3A_214 = arith.mulf %mul3A_212, %mul3A_213 : vector<8x9xf32>
      %add3A_215 = arith.addf %add3A_209, %mul3A_214 : vector<8x9xf32>
      %slice3A_216 = vector.extract_strided_slice %add3A_195 {offsets = [0, 3], sizes = [8, 1], strides = [1, 1]} : vector<8x6xf32> to vector<8x1xf32>
      %slice3A_217 = vector.extract_strided_slice %get3A_198 {offsets = [3, 0], sizes = [1, 9], strides = [1, 1]} : vector<6x9xf32> to vector<1x9xf32>
      %mul3A_218 = vector.broadcast %slice3A_216 : vector<8x1xf32> to vector<8x9xf32>
      %mul3A_219 = vector.broadcast %slice3A_217 : vector<1x9xf32> to vector<8x9xf32>
      %mul3A_220 = arith.mulf %mul3A_218, %mul3A_219 : vector<8x9xf32>
      %add3A_221 = arith.addf %add3A_215, %mul3A_220 : vector<8x9xf32>
      %slice3A_222 = vector.extract_strided_slice %add3A_195 {offsets = [0, 4], sizes = [8, 1], strides = [1, 1]} : vector<8x6xf32> to vector<8x1xf32>
      %slice3A_223 = vector.extract_strided_slice %get3A_198 {offsets = [4, 0], sizes = [1, 9], strides = [1, 1]} : vector<6x9xf32> to vector<1x9xf32>
      %mul3A_224 = vector.broadcast %slice3A_222 : vector<8x1xf32> to vector<8x9xf32>
      %mul3A_225 = vector.broadcast %slice3A_223 : vector<1x9xf32> to vector<8x9xf32>
      %mul3A_226 = arith.mulf %mul3A_224, %mul3A_225 : vector<8x9xf32>
      %add3A_227 = arith.addf %add3A_221, %mul3A_226 : vector<8x9xf32>
      %slice3A_228 = vector.extract_strided_slice %add3A_195 {offsets = [0, 5], sizes = [8, 1], strides = [1, 1]} : vector<8x6xf32> to vector<8x1xf32>
      %slice3A_229 = vector.extract_strided_slice %get3A_198 {offsets = [5, 0], sizes = [1, 9], strides = [1, 1]} : vector<6x9xf32> to vector<1x9xf32>
      %mul3A_230 = vector.broadcast %slice3A_228 : vector<8x1xf32> to vector<8x9xf32>
      %mul3A_231 = vector.broadcast %slice3A_229 : vector<1x9xf32> to vector<8x9xf32>
      %mul3A_232 = arith.mulf %mul3A_230, %mul3A_231 : vector<8x9xf32>
      %add3A_233 = arith.addf %add3A_227, %mul3A_232 : vector<8x9xf32>
      %swap3A = arith.constant 0 : index
      %swap3A_234 = arith.constant 0 : index
      %swap3A_235 = vector.load %arg14[%swap3A, %swap3A_234] : memref<8x9xf32, #tpu.memory_space<vmem>>, vector<8x9xf32>
      tpu.vector_store %arg14[%swap3A, %swap3A_234], %add3A_233 {strides = array<i32>} : memref<8x9xf32, #tpu.memory_space<vmem>>, vector<8x9xf32>,
    } else {
    }
    return
  }
  func.func @transform_0(%arg0: i32) -> (i32, i32) {
    %c0_i32 = arith.constant 0 : i32
    %c0_i32_0 = arith.constant 0 : i32
    return %arg0, %c0_i32 : i32, i32
  }
  func.func @transform_1(%arg0: i32) -> (i32, i32) {
    %c0_i32 = arith.constant 0 : i32
    %c0_i32_0 = arith.constant 0 : i32
    return %c0_i32, %arg0 : i32, i32
  }
  func.func @transform_2(%arg0: i32) -> (i32, i32) {
    %c0_i32 = arith.constant 0 : i32
    %c0_i32_0 = arith.constant 0 : i32
    return %c0_i32, %arg0 : i32, i32
  }
  func.func @transform_3(%arg0: i32) -> (i32, i32) {
    %c0_i32 = arith.constant 0 : i32
    %c0_i32_0 = arith.constant 0 : i32
    return %c0_i32, %arg0 : i32, i32
  }
  func.func @transform_4(%arg0: i32) -> (i32, i32) {
    %c0_i32 = arith.constant 0 : i32
    %c0_i32_0 = arith.constant 0 : i32
    %c0_i32_1 = arith.constant 0 : i32
    return %c0_i32, %c0_i32_0 : i32, i32
  }
  func.func @transform_5(%arg0: i32) -> (i32, i32) {
    %c0_i32 = arith.constant 0 : i32
    %c0_i32_0 = arith.constant 0 : i32
    %c0_i32_1 = arith.constant 0 : i32
    return %c0_i32, %c0_i32_0 : i32, i32
  }
  func.func @transform_6(%arg0: i32) -> (i32, i32) {
    %c0_i32 = arith.constant 0 : i32
    %c0_i32_0 = arith.constant 0 : i32
    %c0_i32_1 = arith.constant 0 : i32
    return %c0_i32, %c0_i32_0 : i32, i32
  }
  func.func @transform_7(%arg0: i32) -> (i32, i32) {
    %c0_i32 = arith.constant 0 : i32
    %c0_i32_0 = arith.constant 0 : i32
    %c0_i32_1 = arith.constant 0 : i32
    return %c0_i32, %c0_i32_0 : i32, i32
  }
  func.func @transform_8(%arg0: i32) -> (i32, i32) {
    %c0_i32 = arith.constant 0 : i32
    %c0_i32_0 = arith.constant 0 : i32
    %c0_i32_1 = arith.constant 0 : i32
    return %c0_i32, %c0_i32_0 : i32, i32
  }
  func.func @transform_9(%arg0: i32) -> (i32, i32) {
    %c0_i32 = arith.constant 0 : i32
    %c0_i32_0 = arith.constant 0 : i32
    %c0_i32_1 = arith.constant 0 : i32
    return %c0_i32, %c0_i32_0 : i32, i32
  }
  func.func @transform_10(%arg0: i32) -> (i32, i32) {
    %c0_i32 = arith.constant 0 : i32
    %c0_i32_0 = arith.constant 0 : i32
    %c0_i32_1 = arith.constant 0 : i32
    return %c0_i32, %c0_i32_0 : i32, i32
  }
  func.func @transform_11(%arg0: i32) -> (i32, i32) {
    %c0_i32 = arith.constant 0 : i32
    %c0_i32_0 = arith.constant 0 : i32
    %c0_i32_1 = arith.constant 0 : i32
    return %c0_i32, %c0_i32_0 : i32, i32
  }
  func.func @transform_12(%arg0: i32) -> (i32, i32) {
    %c0_i32 = arith.constant 0 : i32
    %c0_i32_0 = arith.constant 0 : i32
    %c0_i32_1 = arith.constant 0 : i32
    return %c0_i32, %c0_i32_0 : i32, i32
  }
  func.func @transform_13(%arg0: i32) -> (i32, i32) {
    %c0_i32 = arith.constant 0 : i32
    %c0_i32_0 = arith.constant 0 : i32
    %c0_i32_1 = arith.constant 0 : i32
    return %c0_i32, %c0_i32_0 : i32, i32
  }
}

</mosaic_0001>

<sc_bundles>
// kernel: kernel.6.cloned.1.call-start
scs
__scs_entry_jumppad:
0x0: {  	(pc) =	sbr.rel $0x88, $3  }
0x1: {  	(tag) =	ssettag $0x0;
	lr =	simm.s32 $0x1  }
0x2: {  	[smem:$0x3F95] =	sst lr;
	_ =	strace $0xD0000000  }
0x3: {  	_ = 	snop  }
0x4: {  	_ = 	snop  }
0x5: {  	_ = 	snop  }
0x6: {  	_ = 	snop  }
0x7: {  	_ = 	snop  }
__scs_overlays_trampoline_lowered:
0x8: {  	[smem:$0x3FA4] =	sst s0  }
0x9: {  	[smem:$0x3FA5] =	sst s1  }
0xa: {  	[smem:$0x3FA6] =	sst s2  }
0xb: {  	[smem:$0x3FA7] =	sst s3  }
0xc: {  	[smem:$0x3FA8] =	sst s4  }
0xd: {  	[smem:$0x3FA9] =	sst s5  }
0xe: {  	[smem:$0x3FAA] =	sst s6  }
0xf: {  	[smem:$0x3FAB] =	sst s7  }
0x10: {  	[smem:$0x3FAC] =	sst s8  }
0x11: {  	[smem:$0x3FAD] =	sst s9;
	s0 =	simm.s32 @!p0 $0x0  }
0x12: {  	s1 =	sld [smem:$0x3F93];
	s0 =	simm.s32 @p0 $0x1  }
0x13: {  	[smem:$0x3FAE] =	sst s0;
	s0 =	simm.s32 @!p1 $0x0  }
0x14: {  	s2 =	sld [smem:$0x3F92];
	s0 =	simm.s32 @p1 $0x1  }
0x15: {  	[smem:$0x3FAF] =	sst s0;
	s0 =	simm.s32 @!p2 $0x0  }
0x16: {  	s3 =	sld [smem:$0x3FDB];
	s0 =	simm.s32 @p2 $0x1  }
0x17: {  	s4 =	simm.s32 $0x1BF5;
	[smem:$0x3FB1] =	sst s0  }
0x18: {  	s0 =	sld [smem:$0x3F94];
	_ =	swait.ge [sflag:s4], $0x0  }
0x19: {  	s7 =	sld [smem:$0x3F95]  }
0x1a: {  	s8 =	sadd.s32 $0xFFFFE003, lr  }
0x1b: {  	s9 =	sadd.s32 $0xFFFFFEF7, lr;
	s5 =	simm.s32 $0xFFFFFFFF;
	p2 =	slt.u32 s8, $0xFFFFF086  }
0x1c: {  	p1 =	slt.u32 s9, $0xF7A;
	s5 =	simm.s32 @!p2 $0x0  }
0x1d: {  	s5 =	simm.s32 @p1 $0x1;
	p0 =	seq.s32 s7, s2  }
0x1e: {  	s7 =	smul.u32 @!p0 $0xF7A, s2;
	p2 =	seq.s32 @!p0 s5, $0x0  }
0x1f: {  	s9 =	smul.u32 $0xF7A, s1;
	s8 =	simm.s32 @!p0 $0x1BF5;
	p2 =	por !p2, p0  }
0x20: {  	[sflag:s8] =	ssyncset.s32 @!p0 $0xFFFFF086;
	s6 =	sadd.s32 @!p0 s3, s7;
	s7 =	simm.s32 @!p0 $0x108  }
0x21: {  	s3 =	sadd.s32 s3, s9;
	s6 =	sadd.s32 @!p0 $0x88, s6;
	s7 =	simm.s32 @p2 $0x1082  }
0x22: {  	[simem:s7], [sflag:s8] =	dma.local @!p0 [hbm:s6], $0xF7A  }
0x23: {  	s9 =	sor.u32 $0xD0000000, s2;
	s6 =	simm.s32 $0x108;
	_ =	swait.ge @!p0 [sflag:s8], $0x0  }
0x24: {  	s3 =	sadd.s32 $0x88, s3;
	s6 =	simm.s32 @!p1 $0x1082;
	[sflag:s4] =	ssyncset.s32 $0xFFFFF086  }
0x25: {  	[simem:s6], [sflag:s4] =	dma.local [hbm:s3], $0xF7A  }
0x26: {  	[smem:$0x3F95] =	sst s1;
	(tag) =	ssettag s2;
	_ =	strace s9  }
0x27: {  	s1 =	sld [smem:$0x3FA5]  }
0x28: {  	s2 =	sld [smem:$0x3FA6]  }
0x29: {  	s4 =	sld [smem:$0x3FA8]  }
0x2a: {  	p0 =	seq.s32 s5, $0x0;
	s5 =	sld [smem:$0x3FA9]  }
0x2b: {  	s6 =	sld [smem:$0x3FAA]  }
0x2c: {  	s7 =	sld [smem:$0x3FAB]  }
0x2d: {  	s3 =	simm.s32 $0x108;
	s8 =	sld [smem:$0x3FAC]  }
0x2e: {  	s3 =	simm.s32 @!p0 $0x1082;
	s9 =	sld [smem:$0x3FAD]  }
0x2f: {  	lr =	sadd.s32 s0, s3;
	s0 =	sld [smem:$0x3FA4]  }
0x30: {  	s3 =	sld [smem:$0x3FA7]  }
0x31: {  	[smem:$0x3FB0] =	sst s10  }
0x32: {  	s10 =	sld [smem:$0x3FAE];
	_ =	sdelay $0x3  }
0x33: {  	p0 =	seq.s32 s10, $0x1;
	s10 =	sld [smem:$0x3FB0];
	_ =	sdelay $0x3  }
0x34: {  	[smem:$0x3FB0] =	sst s10  }
0x35: {  	s10 =	sld [smem:$0x3FAF];
	_ =	sdelay $0x3  }
0x36: {  	p1 =	seq.s32 s10, $0x1;
	s10 =	sld [smem:$0x3FB0];
	_ =	sdelay $0x3  }
0x37: {  	[smem:$0x3FB0] =	sst s10  }
0x38: {  	s10 =	sld [smem:$0x3FB1]  }
0x39: {  	_ = 	snop;
	(pc) =	sbr.ind lr, $3  }
0x3a: {  	_ = 	snop  }
0x3b: {  	_ = 	snop  }
0x3c: {  	p2 =	seq.s32 s10, $0x1;
	s10 =	sld [smem:$0x3FB0]  }
0x3d: {  	_ =	shalt  }
0x3e: {  	_ =	shalt  }
0x3f: {  	_ =	shalt  }
0x40: {  	_ =	shalt  }
0x41: {  	_ =	shalt  }
0x42: {  	_ =	shalt  }
0x43: {  	_ =	shalt  }
0x44: {  	_ =	shalt  }
0x45: {  	_ =	shalt  }
0x46: {  	_ =	shalt  }
0x47: {  	_ =	shalt  }
0x48: {  	_ =	shalt  }
0x49: {  	_ =	shalt  }
0x4a: {  	_ =	shalt  }
0x4b: {  	_ =	shalt  }
0x4c: {  	_ =	shalt  }
0x4d: {  	_ =	shalt  }
0x4e: {  	_ =	shalt  }
0x4f: {  	_ =	shalt  }
0x50: {  	_ =	shalt  }
0x51: {  	_ =	shalt  }
0x52: {  	_ =	shalt  }
0x53: {  	_ =	shalt  }
0x54: {  	_ =	shalt  }
0x55: {  	_ =	shalt  }
0x56: {  	_ =	shalt  }
0x57: {  	_ =	shalt  }
0x58: {  	_ =	shalt  }
0x59: {  	_ =	shalt  }
0x5a: {  	_ =	shalt  }
0x5b: {  	_ =	shalt  }
0x5c: {  	_ =	shalt  }
0x5d: {  	_ =	shalt  }
0x5e: {  	_ =	shalt  }
0x5f: {  	_ =	shalt  }
0x60: {  	_ =	shalt  }
0x61: {  	_ =	shalt  }
0x62: {  	_ =	shalt  }
0x63: {  	_ =	shalt  }
0x64: {  	_ =	shalt  }
0x65: {  	_ =	shalt  }
0x66: {  	_ =	shalt  }
0x67: {  	_ =	shalt  }
0x68: {  	_ =	shalt  }
0x69: {  	_ =	shalt  }
0x6a: {  	_ =	shalt  }
0x6b: {  	_ =	shalt  }
0x6c: {  	_ =	shalt  }
0x6d: {  	_ =	shalt  }
0x6e: {  	_ =	shalt  }
0x6f: {  	_ =	shalt  }
0x70: {  	_ =	shalt  }
0x71: {  	_ =	shalt  }
0x72: {  	_ =	shalt  }
0x73: {  	_ =	shalt  }
0x74: {  	_ =	shalt  }
0x75: {  	_ =	shalt  }
0x76: {  	_ =	shalt  }
0x77: {  	_ =	shalt  }
0x78: {  	_ =	shalt  }
0x79: {  	_ =	shalt  }
0x7a: {  	_ =	shalt  }
0x7b: {  	_ =	shalt  }
0x7c: {  	_ =	shalt  }
0x7d: {  	_ =	shalt  }
0x7e: {  	_ =	shalt  }
0x7f: {  	_ =	shalt  }
0x80: {  	_ =	shalt  }
0x81: {  	_ =	shalt  }
0x82: {  	_ =	shalt  }
0x83: {  	_ =	shalt  }
0x84: {  	_ =	shalt  }
0x85: {  	_ =	shalt  }
0x86: {  	_ =	shalt  }
0x87: {  	_ =	shalt  }
.Lfunc_end0:
.L_simem_size_0:
called_computation_lowered:
.L_overlay_start_0:
0x88: {  	s2 =	sld [smem:$0x3FD9]  }
0x89: {  	s3 =	sld [smem:$0x3FFE];
	_ =	sdelay $0x1  }
0x8a: {  	s1 =	srdreg.scid  }
0x8b: {  	s0 =	sand.u32 $0x1, s1  }
0x8c: {  	s16 =	sshll.u32 s0, $0xA;
	s2 =	sadd.s32 s3, s2  }
0x8d: {  	s2 =	sadd.s32 s2, s16  }
0x8e: {  	[smem:$0x3FBC] =	sst s2  }
0x8f: {  	_ = 	snop  }
0x90: {  	(tm) =	ssettm $0x1  }
0x91: {  	s17 =	sld [smem:$0x3FFB];
	_ =	sdelay $0x3  }
0x92: {  	_ =	strace s17  }
0x93: {  	s2 =	sld [smem:$0x3FFC];
	_ =	sdelay $0x3  }
0x94: {  	_ =	strace s2  }
0x95: {  	s2 =	sld [smem:$0x3FFD];
	_ =	sdelay $0x3  }
0x96: {  	_ =	strace s2  }
0x97: {  	_ =	strace $0x8FFFFFFF  }
0x98: {  	s18 =	sld [smem:$0x3FDB];
	_ =	sdelay $0x1  }
0x99: {  	s19 =	simm.s32 $_scs_section_size  }
0x9a: {  	s4 =	simm.s32 $_size__tile_overlayer_lowered;
	s5 =	simm.s32 $_tile_overlayer_lowered  }
0x9b: {  	s22 =	simm.s32 $0x1BFF;
	s21 =	sshll.u32 s5, $0x1;
	s2 =	sadd.s32 s19, s18  }
0x9c: {  	s6 =	simm.s32 $0x0;
	s20 =	sshll.u32 s4, $0x1;
	s4 =	sadd.s32 s21, s2  }
0x9d: {  	[timem:s6], [sflag:s22] =	dma.local [hbm:s4], s20  }
0x9e: {  	_ =	swait.ge [sflag:s22], s20  }
0x9f: {  	s3 =	ssub.s32 $0x0, s20;
	[sflag:s22] =	ssyncset.done $0x0  }
0xa0: {  	[sflag:s22] =	ssyncadd.s32 s3;
	_ =	sdelay $0x1  }
0xa1: {  	s23 =	simm.s32 $0x1B8B  }
0xa2: {  	_ =	swait.ge [sflag:s23], $0x1  }
0xa3: {  	[sflag:s23] =	ssyncset.done $0x0  }
0xa4: {  	s25 =	simm.s32 $0x1B8E;
	s24 =	sld [smem:$0x3FFE];
	[sflag:s23] =	ssyncadd.s32 $0xFFFFFFFF  }
0xa5: {  	s26 =	simm.s32 $execute0_lowered;
	[smem:$0x3FD2] =	sst s25  }
0xa6: {  	s4 =	sshll.u32 s26, $0x1;
	_ =	strace $0x80000046;
	[dreg:$0x1] =	wrdreg $0xFFFFFFFF  }
0xa7: {  	s28 =	simm.s32 $_size_execute0_lowered;
	s2 =	sadd.s32 s2, s4;
	[dreg:$0x0] =	wrdreg $0x0  }
0xa8: {  	s4 =	sshll.u32 s28, $0x1;
	[dreg:$0x2] =	wrdreg s2  }
0xa9: {  	[dreg:$0x3] =	wrdreg s4  }
0xaa: {  	[dreg:$0x4] =	wrdreg $0xC0  }
0xab: {  	_ =	task [dreg:s6], $0x5FFFF  }
0xac: {  	[dreg:$0x1] =	wrdreg $0xFFFFFFFF  }
0xad: {  	[dreg:$0x0] =	wrdreg $0x60  }
0xae: {  	[dreg:$0x2] =	wrdreg s24  }
0xaf: {  	[dreg:$0x3] =	wrdreg $0x9  }
0xb0: {  	_ =	task.clear_ibuf [dreg:s6], $0x4FFFF;
	_ =	strace $0x90000046  }
0xb1: {  	s29 =	simm.s32 $0x9;
	_ =	strace $0x80000048  }
0xb2: {  	_ =	swait.ge [sflag:s29], $0x1  }
0xb3: {  	[sflag:s29] =	ssyncadd.s32 $0xFFFFFFFF  }
0xb4: {  	_ =	strace $0x90000048  }
0xb5: {  	_ =	sfence  }
0xb6: {  	s30 =	sld [smem:$0x0];
	_ =	sdelay $0x2  }
0xb7: {  	s31 =	sshll.u32 s1, $0xD;
	s1 =	sshrl.u32 s1, $0x2  }
0xb8: {  	s3 =	sand.u32 $0x4000, s31;
	s1 =	sadd.s32 s1, s30  }
0xb9: {  	s0 =	sor.u32 s3, s0;
	s1 =	sshll.u32 s1, $0x11  }
0xba: {  	s0 =	sor.u32 s1, s0  }
0xbb: {  	s0 =	sadd.s32 $0x8F2B, s0  }
0xbc: {  	[sflag:s0] =	ssyncadd.remote.s32 $0x1  }
0xbd: {  	_ =	sfence.sel $0xFFFF  }
0xbe: {  	[dreg:$0x0] =	wrdreg $0xFFFFFFFF;
	(pc) =	sbr.abs _section_cstart, $3  }
0xbf: {  	[dreg:$0x1] =	wrdreg $0xFFFFFFFF  }
0xc0: {  	_ =	task.clear_ibuf [dreg:s6], $0x2FFFF;
	_ =	strace $0x9FFFFFFF  }
0xc1: {  	(tm) =	ssettm $0x7FFFFFFF  }
tec
execute0_lowered:
.L_overlay_start_1:
0x0: {  	(tag) =	ssettag $0x1  }
0x1: {  	s1 =	srdreg.scid  }
0x2: {  	s0 =	stileid.u32;
	s4 =	rddreg [dreg:$0x0];
	s8 =	simm.s32 $0x1400  }
0x3: {  	s9 =	simm.s32 $0x80;
	s10 =	simm.s32 $0x400;
	s11 =	simm.s32 $0x0  }
0x4: {  	s3 =	sand.u32 $0x1, s1;
	s2 =	sshll.u32 s0, $0x1;
	s1 =	rddreg [dreg:$0x1]  }
0x5: {  	s6 =	sshrl.u32 s0, $0x2;
	s5 =	sor.u32 s3, s2;
	s2 =	simm.s32 $0x0  }
0x6: {  	s6 =	smul.u32 $0x13C00, s6;
	s30 =	ssub.s32 $0x2, s3;
	s7 =	sshll.u32 s5, $0x7  }
0x7: {  	s3 =	sadd.s32 $0x7400, s4;
	s5 =	smul.u32 $0x272, s5;
	s7 =	sand.u32 $0x380, s7  }
0x8: {  	[smem:$0x7FF] =	sst s2;
	s31 =	sshrl.u32 s30, $0x1;
	s6 =	sor.u32 s6, s7  }
0x9: {  	_ =	strace $0x80000047;
	s5 =	sadd.s32 s5, s4;
	s6 =	sshrl.u32 s6, $0x3  }
0xa: {  	s7 =	ssub.s32 s30, s31;
	s6 =	sadd.s32 s6, s4;
	s4 =	sadd.s32 $0x2400, s5  }
0xb: {  	v0 =	vimm.s32 $0x1;
	s5 =	sadd.s32 $0x7A00, s6;
	s6 =	smax.u32 s7, $0x1;
	s7 =	simm.s32 $0x1  }
.LBB2_1:
0xc: {  	[tilespmem:s2], [sflag:$0x1] =	stream.linear.gather [hbm4b:s4+s2], $0x1390, $0x38;
	[tilespmem:$0x3B80] =	vst v63  }
0xd: {  	_ =	swait.ge [sflag:s7], $0x1390  }
0xe: {  	[sflag:s7] =	ssyncset.done $0x0  }
0xf: {  	[sflag:s7] =	ssyncadd.s32 $0xFFFFEC70  }
0x10: {  	[tilespmem:s8], [sflag:$0x1] =	stream.linear.gather [hbm4b:s3+s2], $0x2780, $0x38;
	[tilespmem:$0x3B80] =	vst v63  }
0x11: {  	_ =	swait.ge [sflag:s7], $0x2780  }
0x12: {  	[sflag:s7] =	ssyncset.done $0x0  }
0x13: {  	s13 =	simm.s32 $0x0;
	s12 =	simm.s32 $0x40;
	[sflag:s7] =	ssyncadd.s32 $0xFFFFD880  }
.LBB2_2:
0x14: {  	p0 =	sne.s32 s12, $0x4E00;
	v1 =	vld [tilespmem:s13+$0x0];
	_ =	sdelay $0x3  }
.Ltmp0:
0x15: {  	(pc) =	sbr.rel @p0 .LBB2_2-.Ltmp0, $2  }
0x16: {  	_ =	sdelay $0x2  }
0x17: {  	s13 =	sshra.s32 s12, $0x2;
	s12 =	sadd.s32 $0x40, s12;
	[tilespmem:v1+s8+$0x0] =	vst.idx.add.s32.msk $0xffff, v0  }
0x18: {  	v1 =	vld [tilespmem:s13+$0x0];
	_ =	sdelay $0x5  }
0x19: {  	s11 =	sadd.s32 $0x1, s11  }
0x1a: {  	p0 =	sne.s32 s11, s6  }
.Ltmp1:
0x1b: {  	[tilespmem:v1+s8+$0x0] =	vst.idx.add.s32.msk $0xffff, v0;
	(pc) =	sbr.rel @p0 .LBB2_1-.Ltmp1, $4  }
0x1c: {  	[hbm4b:s5+s9] =	stream.strided.scatter [tilespmem:s8], [sflag:$0x1], $0x2780, s10, s9, $0x38;
	[tilespmem:$0x3B80] =	vst v63  }
0x1d: {  	_ =	swait.ge [sflag:s7], $0x2780  }
0x1e: {  	[sflag:s7] =	ssyncset.done $0x0  }
0x1f: {  	[sflag:s7] =	ssyncadd.s32 $0xFFFFD880  }
0x20: {  	_ =	sfence.sel $0x180000  }
0x21: {  	[bflag:$0x0] =	sbarrier.arrive $0xFFFF  }
0x22: {  	p0 =	sne.s32 s0, $0x0;
	_ =	strace $0x90000047  }
0x23: {  	s0 =	sadd.s32 @!p0 $0x100000, s1;
	[bflag:$0x2] =	sbarrier.arrive $0xFFFF  }
0x24: {  	[sflag:s0] =	ssyncadd.tile.s32 @!p0 $0x1;
	_ =	shalt  }
.Lfunc_end2:
_tile_overlayer_lowered:
.L_overlay_start_2:
0x25: {  	(tag) =	ssettag $0x2  }
0x26: {  	s0 =	rddreg [dreg:$0x0];
	s2 =	stileid.u32  }
0x27: {  	s1 =	rddreg [dreg:$0x1];
	p0 =	sne.s32 s2, $0x0  }
0x28: {  	s3 =	rddreg [dreg:$0x2];
	[bflag:$0x3] =	sbarrier.arrive $0xFFFF;
	s2 =	simm.s32 @!p0 $0x1C01  }
0x29: {  	[timem:s3], [sflag:s2] =	dma.local @!p0 [hbm:s0], s1  }
0x2a: {  	s0 =	simm.s32 @!p0 $0x1  }
0x2b: {  	_ =	swait.ge @!p0 [sflag:s0], s1  }
0x2c: {  	s1 =	ssub.s32 @!p0 $0x0, s1;
	[sflag:s0] =	ssyncset.done @!p0 $0x0  }
0x2d: {  	[sflag:s0] =	ssyncadd.s32 @!p0 s1  }
0x2e: {  	[bflag:$0x3] =	sbarrier.arrive $0xFFFF  }
0x2f: {  	_ =	shalt  }

// kernel: kernel.9.cloned.1.call-start
scs
__scs_entry_jumppad:
0x0: {  	(pc) =	sbr.rel $0x88, $3  }
0x1: {  	(tag) =	ssettag $0x0;
	lr =	simm.s32 $0x1  }
0x2: {  	[smem:$0x3F95] =	sst lr;
	_ =	strace $0xD0000000  }
0x3: {  	_ = 	snop  }
0x4: {  	_ = 	snop  }
0x5: {  	_ = 	snop  }
0x6: {  	_ = 	snop  }
0x7: {  	_ = 	snop  }
__scs_overlays_trampoline_lowered:
0x8: {  	[smem:$0x3FA4] =	sst s0  }
0x9: {  	[smem:$0x3FA5] =	sst s1  }
0xa: {  	[smem:$0x3FA6] =	sst s2  }
0xb: {  	[smem:$0x3FA7] =	sst s3  }
0xc: {  	[smem:$0x3FA8] =	sst s4  }
0xd: {  	[smem:$0x3FA9] =	sst s5  }
0xe: {  	[smem:$0x3FAA] =	sst s6  }
0xf: {  	[smem:$0x3FAB] =	sst s7  }
0x10: {  	[smem:$0x3FAC] =	sst s8  }
0x11: {  	[smem:$0x3FAD] =	sst s9;
	s0 =	simm.s32 @!p0 $0x0  }
0x12: {  	s1 =	sld [smem:$0x3F93];
	s0 =	simm.s32 @p0 $0x1  }
0x13: {  	[smem:$0x3FAE] =	sst s0;
	s0 =	simm.s32 @!p1 $0x0  }
0x14: {  	s2 =	sld [smem:$0x3F92];
	s0 =	simm.s32 @p1 $0x1  }
0x15: {  	[smem:$0x3FAF] =	sst s0;
	s0 =	simm.s32 @!p2 $0x0  }
0x16: {  	s3 =	sld [smem:$0x3FDB];
	s0 =	simm.s32 @p2 $0x1  }
0x17: {  	s4 =	simm.s32 $0x1BF5;
	[smem:$0x3FB1] =	sst s0  }
0x18: {  	s0 =	sld [smem:$0x3F94];
	_ =	swait.ge [sflag:s4], $0x0  }
0x19: {  	s7 =	sld [smem:$0x3F95]  }
0x1a: {  	s8 =	sadd.s32 $0xFFFFE003, lr  }
0x1b: {  	s9 =	sadd.s32 $0xFFFFFEF7, lr;
	s5 =	simm.s32 $0xFFFFFFFF;
	p2 =	slt.u32 s8, $0xFFFFF086  }
0x1c: {  	p1 =	slt.u32 s9, $0xF7A;
	s5 =	simm.s32 @!p2 $0x0  }
0x1d: {  	s5 =	simm.s32 @p1 $0x1;
	p0 =	seq.s32 s7, s2  }
0x1e: {  	s7 =	smul.u32 @!p0 $0xF7A, s2;
	p2 =	seq.s32 @!p0 s5, $0x0  }
0x1f: {  	s9 =	smul.u32 $0xF7A, s1;
	s8 =	simm.s32 @!p0 $0x1BF5;
	p2 =	por !p2, p0  }
0x20: {  	[sflag:s8] =	ssyncset.s32 @!p0 $0xFFFFF086;
	s6 =	sadd.s32 @!p0 s3, s7;
	s7 =	simm.s32 @!p0 $0x108  }
0x21: {  	s3 =	sadd.s32 s3, s9;
	s6 =	sadd.s32 @!p0 $0x88, s6;
	s7 =	simm.s32 @p2 $0x1082  }
0x22: {  	[simem:s7], [sflag:s8] =	dma.local @!p0 [hbm:s6], $0xF7A  }
0x23: {  	s9 =	sor.u32 $0xD0000000, s2;
	s6 =	simm.s32 $0x108;
	_ =	swait.ge @!p0 [sflag:s8], $0x0  }
0x24: {  	s3 =	sadd.s32 $0x88, s3;
	s6 =	simm.s32 @!p1 $0x1082;
	[sflag:s4] =	ssyncset.s32 $0xFFFFF086  }
0x25: {  	[simem:s6], [sflag:s4] =	dma.local [hbm:s3], $0xF7A  }
0x26: {  	[smem:$0x3F95] =	sst s1;
	(tag) =	ssettag s2;
	_ =	strace s9  }
0x27: {  	s1 =	sld [smem:$0x3FA5]  }
0x28: {  	s2 =	sld [smem:$0x3FA6]  }
0x29: {  	s4 =	sld [smem:$0x3FA8]  }
0x2a: {  	p0 =	seq.s32 s5, $0x0;
	s5 =	sld [smem:$0x3FA9]  }
0x2b: {  	s6 =	sld [smem:$0x3FAA]  }
0x2c: {  	s7 =	sld [smem:$0x3FAB]  }
0x2d: {  	s3 =	simm.s32 $0x108;
	s8 =	sld [smem:$0x3FAC]  }
0x2e: {  	s3 =	simm.s32 @!p0 $0x1082;
	s9 =	sld [smem:$0x3FAD]  }
0x2f: {  	lr =	sadd.s32 s0, s3;
	s0 =	sld [smem:$0x3FA4]  }
0x30: {  	s3 =	sld [smem:$0x3FA7]  }
0x31: {  	[smem:$0x3FB0] =	sst s10  }
0x32: {  	s10 =	sld [smem:$0x3FAE];
	_ =	sdelay $0x3  }
0x33: {  	p0 =	seq.s32 s10, $0x1;
	s10 =	sld [smem:$0x3FB0];
	_ =	sdelay $0x3  }
0x34: {  	[smem:$0x3FB0] =	sst s10  }
0x35: {  	s10 =	sld [smem:$0x3FAF];
	_ =	sdelay $0x3  }
0x36: {  	p1 =	seq.s32 s10, $0x1;
	s10 =	sld [smem:$0x3FB0];
	_ =	sdelay $0x3  }
0x37: {  	[smem:$0x3FB0] =	sst s10  }
0x38: {  	s10 =	sld [smem:$0x3FB1]  }
0x39: {  	_ = 	snop;
	(pc) =	sbr.ind lr, $3  }
0x3a: {  	_ = 	snop  }
0x3b: {  	_ = 	snop  }
0x3c: {  	p2 =	seq.s32 s10, $0x1;
	s10 =	sld [smem:$0x3FB0]  }
0x3d: {  	_ =	shalt  }
0x3e: {  	_ =	shalt  }
0x3f: {  	_ =	shalt  }
0x40: {  	_ =	shalt  }
0x41: {  	_ =	shalt  }
0x42: {  	_ =	shalt  }
0x43: {  	_ =	shalt  }
0x44: {  	_ =	shalt  }
0x45: {  	_ =	shalt  }
0x46: {  	_ =	shalt  }
0x47: {  	_ =	shalt  }
0x48: {  	_ =	shalt  }
0x49: {  	_ =	shalt  }
0x4a: {  	_ =	shalt  }
0x4b: {  	_ =	shalt  }
0x4c: {  	_ =	shalt  }
0x4d: {  	_ =	shalt  }
0x4e: {  	_ =	shalt  }
0x4f: {  	_ =	shalt  }
0x50: {  	_ =	shalt  }
0x51: {  	_ =	shalt  }
0x52: {  	_ =	shalt  }
0x53: {  	_ =	shalt  }
0x54: {  	_ =	shalt  }
0x55: {  	_ =	shalt  }
0x56: {  	_ =	shalt  }
0x57: {  	_ =	shalt  }
0x58: {  	_ =	shalt  }
0x59: {  	_ =	shalt  }
0x5a: {  	_ =	shalt  }
0x5b: {  	_ =	shalt  }
0x5c: {  	_ =	shalt  }
0x5d: {  	_ =	shalt  }
0x5e: {  	_ =	shalt  }
0x5f: {  	_ =	shalt  }
0x60: {  	_ =	shalt  }
0x61: {  	_ =	shalt  }
0x62: {  	_ =	shalt  }
0x63: {  	_ =	shalt  }
0x64: {  	_ =	shalt  }
0x65: {  	_ =	shalt  }
0x66: {  	_ =	shalt  }
0x67: {  	_ =	shalt  }
0x68: {  	_ =	shalt  }
0x69: {  	_ =	shalt  }
0x6a: {  	_ =	shalt  }
0x6b: {  	_ =	shalt  }
0x6c: {  	_ =	shalt  }
0x6d: {  	_ =	shalt  }
0x6e: {  	_ =	shalt  }
0x6f: {  	_ =	shalt  }
0x70: {  	_ =	shalt  }
0x71: {  	_ =	shalt  }
0x72: {  	_ =	shalt  }
0x73: {  	_ =	shalt  }
0x74: {  	_ =	shalt  }
0x75: {  	_ =	shalt  }
0x76: {  	_ =	shalt  }
0x77: {  	_ =	shalt  }
0x78: {  	_ =	shalt  }
0x79: {  	_ =	shalt  }
0x7a: {  	_ =	shalt  }
0x7b: {  	_ =	shalt  }
0x7c: {  	_ =	shalt  }
0x7d: {  	_ =	shalt  }
0x7e: {  	_ =	shalt  }
0x7f: {  	_ =	shalt  }
0x80: {  	_ =	shalt  }
0x81: {  	_ =	shalt  }
0x82: {  	_ =	shalt  }
0x83: {  	_ =	shalt  }
0x84: {  	_ =	shalt  }
0x85: {  	_ =	shalt  }
0x86: {  	_ =	shalt  }
0x87: {  	_ =	shalt  }
.Lfunc_end0:
.L_simem_size_0:
called_computation.1_lowered:
.L_overlay_start_0:
0x88: {  	s2 =	sld [smem:$0x3FD9]  }
0x89: {  	s3 =	sld [smem:$0x3FFE];
	_ =	sdelay $0x1  }
0x8a: {  	s1 =	srdreg.scid  }
0x8b: {  	s0 =	sand.u32 $0x1, s1  }
0x8c: {  	s16 =	sshll.u32 s0, $0xA;
	s2 =	sadd.s32 s3, s2  }
0x8d: {  	s2 =	sadd.s32 s2, s16  }
0x8e: {  	[smem:$0x3FBC] =	sst s2  }
0x8f: {  	_ = 	snop  }
0x90: {  	(tm) =	ssettm $0x1  }
0x91: {  	s17 =	sld [smem:$0x3FFB];
	_ =	sdelay $0x3  }
0x92: {  	_ =	strace s17  }
0x93: {  	s2 =	sld [smem:$0x3FFC];
	_ =	sdelay $0x3  }
0x94: {  	_ =	strace s2  }
0x95: {  	s2 =	sld [smem:$0x3FFD];
	_ =	sdelay $0x3  }
0x96: {  	_ =	strace s2  }
0x97: {  	_ =	strace $0x8FFFFFFF  }
0x98: {  	s18 =	sld [smem:$0x3FDB];
	_ =	sdelay $0x1  }
0x99: {  	s19 =	simm.s32 $_scs_section_size  }
0x9a: {  	s4 =	simm.s32 $_size__tile_overlayer_lowered;
	s5 =	simm.s32 $_tile_overlayer_lowered  }
0x9b: {  	s22 =	simm.s32 $0x1BFF;
	s21 =	sshll.u32 s5, $0x1;
	s2 =	sadd.s32 s19, s18  }
0x9c: {  	s6 =	simm.s32 $0x0;
	s20 =	sshll.u32 s4, $0x1;
	s4 =	sadd.s32 s21, s2  }
0x9d: {  	[timem:s6], [sflag:s22] =	dma.local [hbm:s4], s20  }
0x9e: {  	_ =	swait.ge [sflag:s22], s20  }
0x9f: {  	s3 =	ssub.s32 $0x0, s20;
	[sflag:s22] =	ssyncset.done $0x0  }
0xa0: {  	[sflag:s22] =	ssyncadd.s32 s3;
	_ =	sdelay $0x1  }
0xa1: {  	s23 =	simm.s32 $0x1B8B  }
0xa2: {  	_ =	swait.ge [sflag:s23], $0x1  }
0xa3: {  	[sflag:s23] =	ssyncset.done $0x0  }
0xa4: {  	s25 =	simm.s32 $0x1B8E;
	s24 =	sld [smem:$0x3FFE];
	[sflag:s23] =	ssyncadd.s32 $0xFFFFFFFF  }
0xa5: {  	s26 =	simm.s32 $execute0_lowered;
	[smem:$0x3FD2] =	sst s25  }
0xa6: {  	s4 =	sshll.u32 s26, $0x1;
	_ =	strace $0x80000049;
	[dreg:$0x1] =	wrdreg $0xFFFFFFFF  }
0xa7: {  	s28 =	simm.s32 $_size_execute0_lowered;
	s2 =	sadd.s32 s2, s4;
	[dreg:$0x0] =	wrdreg $0x0  }
0xa8: {  	s4 =	sshll.u32 s28, $0x1;
	[dreg:$0x2] =	wrdreg s2  }
0xa9: {  	[dreg:$0x3] =	wrdreg s4  }
0xaa: {  	[dreg:$0x4] =	wrdreg $0xC0  }
0xab: {  	_ =	task [dreg:s6], $0x5FFFF  }
0xac: {  	[dreg:$0x1] =	wrdreg $0xFFFFFFFF  }
0xad: {  	[dreg:$0x0] =	wrdreg $0x60  }
0xae: {  	[dreg:$0x2] =	wrdreg s24  }
0xaf: {  	[dreg:$0x3] =	wrdreg $0x9  }
0xb0: {  	_ =	task.clear_ibuf [dreg:s6], $0x4FFFF;
	_ =	strace $0x90000049  }
0xb1: {  	s29 =	simm.s32 $0x9;
	_ =	strace $0x8000004B  }
0xb2: {  	_ =	swait.ge [sflag:s29], $0x1  }
0xb3: {  	[sflag:s29] =	ssyncadd.s32 $0xFFFFFFFF  }
0xb4: {  	_ =	strace $0x9000004B  }
0xb5: {  	_ =	sfence  }
0xb6: {  	s30 =	sld [smem:$0x0];
	_ =	sdelay $0x2  }
0xb7: {  	s31 =	sshll.u32 s1, $0xD;
	s1 =	sshrl.u32 s1, $0x2  }
0xb8: {  	s3 =	sand.u32 $0x4000, s31;
	s1 =	sadd.s32 s1, s30  }
0xb9: {  	s0 =	sor.u32 s3, s0;
	s1 =	sshll.u32 s1, $0x11  }
0xba: {  	s0 =	sor.u32 s1, s0  }
0xbb: {  	s0 =	sadd.s32 $0x8F2B, s0  }
0xbc: {  	[sflag:s0] =	ssyncadd.remote.s32 $0x1  }
0xbd: {  	_ =	sfence.sel $0xFFFF  }
0xbe: {  	[dreg:$0x0] =	wrdreg $0xFFFFFFFF;
	(pc) =	sbr.abs _section_cstart, $3  }
0xbf: {  	[dreg:$0x1] =	wrdreg $0xFFFFFFFF  }
0xc0: {  	_ =	task.clear_ibuf [dreg:s6], $0x2FFFF;
	_ =	strace $0x9FFFFFFF  }
0xc1: {  	(tm) =	ssettm $0x7FFFFFFF  }
tec
execute0_lowered:
.L_overlay_start_1:
0x0: {  	(tag) =	ssettag $0x1  }
0x1: {  	s1 =	srdreg.scid  }
0x2: {  	s0 =	stileid.u32;
	s4 =	rddreg [dreg:$0x0]  }
0x3: {  	s2 =	simm.s32 $0x0;
	s9 =	simm.s32 $0x1;
	s10 =	simm.s32 $0x1400  }
0x4: {  	s11 =	simm.s32 $0x3B80;
	s12 =	simm.s32 $0x6300;
	s13 =	simm.s32 $0x7700  }
0x5: {  	s14 =	simm.s32 $0x0;
	s3 =	sand.u32 $0x1, s1;
	s5 =	sshll.u32 s0, $0x1  }
0x6: {  	s1 =	rddreg [dreg:$0x1];
	s5 =	sor.u32 s3, s5;
	s6 =	ssub.s32 $0x2, s3  }
0x7: {  	[smem:$0x7FF] =	sst s2;
	s5 =	smul.u32 $0x272, s5;
	s31 =	sshrl.u32 s6, $0x1  }
0x8: {  	_ =	strace $0x8000004A;
	s3 =	sadd.s32 $0x7400, s4;
	s8 =	ssub.s32 s6, s31  }
0x9: {  	s7 =	sadd.s32 s5, s4;
	s4 =	sadd.s32 $0x11800, s4;
	s8 =	smax.u32 s8, $0x1  }
0xa: {  	s5 =	sadd.s32 $0x2400, s7;
	s6 =	sadd.s32 $0x7A00, s7;
	s7 =	sadd.s32 $0x11E00, s7  }
.LBB2_1:
0xb: {  	[tilespmem:s2], [sflag:$0x1] =	stream.linear.gather [hbm4b:s5+s2], $0x1390, $0x38;
	[tilespmem:$0x8B00] =	vst v63  }
0xc: {  	_ =	swait.ge [sflag:s9], $0x1390  }
0xd: {  	[sflag:s9] =	ssyncset.done $0x0  }
0xe: {  	[sflag:s9] =	ssyncadd.s32 $0xFFFFEC70  }
0xf: {  	[tilespmem:s10], [sflag:$0x1] =	stream.linear.gather [hbm4b:s3+s2], $0x2780, $0x38;
	[tilespmem:$0x8B00] =	vst v63  }
0x10: {  	_ =	swait.ge [sflag:s9], $0x2780  }
0x11: {  	[sflag:s9] =	ssyncset.done $0x0  }
0x12: {  	[sflag:s9] =	ssyncadd.s32 $0xFFFFD880  }
0x13: {  	[tilespmem:s11], [sflag:$0x1] =	stream.linear.gather [hbm4b:s4+s2], $0x2780, $0x38;
	[tilespmem:$0x8B00] =	vst v63  }
0x14: {  	_ =	swait.ge [sflag:s9], $0x2780  }
0x15: {  	[sflag:s9] =	ssyncset.done $0x0  }
0x16: {  	s15 =	simm.s32 $0x40;
	[sflag:s9] =	ssyncadd.s32 $0xFFFFD880  }
0x17: {  	v0 =	vld [tilespmem:s15+$0x30]  }
0x18: {  	v1 =	vld [tilespmem:s15+$0xFFFFFFD0]  }
0x19: {  	v2 =	vld [tilespmem:s15+$0xFFFFFFE0]  }
0x1a: {  	v3 =	vld [tilespmem:s15+$0xFFFFFFF0]  }
0x1b: {  	v4 =	vld [tilespmem:s15+$0x0]  }
0x1c: {  	v5 =	vld [tilespmem:s15+$0x10]  }
0x1d: {  	v6 =	vld [tilespmem:s15+$0x20]  }
0x1e: {  	v7 =	vld [tilespmem:s15+$0xFFFFFFC0]  }
0x1f: {  	v8 =	vld.idx.msk [tilespmem:v0+s10+$0x0], $0xffff  }
0x20: {  	v9 =	vld.idx.msk [tilespmem:v1+s10+$0x0], $0xffff  }
0x21: {  	v10 =	vld.idx.msk [tilespmem:v2+s10+$0x0], $0xffff  }
0x22: {  	v11 =	vld.idx.msk [tilespmem:v3+s10+$0x0], $0xffff  }
0x23: {  	v12 =	vld.idx.msk [tilespmem:v4+s10+$0x0], $0xffff  }
0x24: {  	s15 =	simm.s32 $0x6340;
	v13 =	vld.idx.msk [tilespmem:v5+s10+$0x0], $0xffff  }
0x25: {  	v14 =	vld.idx.msk [tilespmem:v6+s10+$0x0], $0xffff;
	[tilespmem:s15+$0x30] =	vst v8  }
0x26: {  	v62 =	vld.idx.msk [tilespmem:v7+s10+$0x0], $0xffff;
	[tilespmem:s15+$0xFFFFFFD0] =	vst v9  }
0x27: {  	[tilespmem:s15+$0xFFFFFFE0] =	vst v10;
	v8 =	vld.idx.msk [tilespmem:v0+s11+$0x0], $0xffff  }
0x28: {  	[tilespmem:s15+$0xFFFFFFF0] =	vst v11;
	v63 =	vld.idx.msk [tilespmem:v1+s11+$0x0], $0xffff  }
0x29: {  	[tilespmem:s15+$0x0] =	vst v12;
	v0 =	vld.idx.msk [tilespmem:v2+s11+$0x0], $0xffff  }
0x2a: {  	[tilespmem:s15+$0x10] =	vst v13;
	v1 =	vld.idx.msk [tilespmem:v3+s11+$0x0], $0xffff  }
0x2b: {  	[tilespmem:s15+$0x20] =	vst v14;
	v2 =	vld.idx.msk [tilespmem:v4+s11+$0x0], $0xffff  }
0x2c: {  	s16 =	simm.s32 $0x7740;
	[tilespmem:s15+$0xFFFFFFC0] =	vst v62;
	v3 =	vld.idx.msk [tilespmem:v5+s11+$0x0], $0xffff  }
0x2d: {  	v4 =	vld.idx.msk [tilespmem:v6+s11+$0x0], $0xffff;
	[tilespmem:s16+$0x30] =	vst v8  }
0x2e: {  	s17 =	simm.s32 $0x0;
	s18 =	simm.s32 $0xC0;
	v5 =	vld.idx.msk [tilespmem:v7+s11+$0x0], $0xffff;
	[tilespmem:s16+$0xFFFFFFD0] =	vst v63  }
.LBB2_2:
0x2f: {  	v6 =	vld [tilespmem:s18+$0x30];
	s17 =	sadd.s32 $0x80, s17;
	[tilespmem:s16+$0xFFFFFFE0] =	vst v0  }
0x30: {  	v0 =	vld [tilespmem:s18+$0xFFFFFFD0];
	p0 =	slt.u32 s17, $0x1300;
	[tilespmem:s16+$0xFFFFFFF0] =	vst v1  }
0x31: {  	v1 =	vld [tilespmem:s18+$0xFFFFFFE0];
	[tilespmem:s16+$0x0] =	vst v2  }
0x32: {  	v2 =	vld [tilespmem:s18+$0xFFFFFFF0];
	[tilespmem:s16+$0x10] =	vst v3  }
0x33: {  	v3 =	vld [tilespmem:s18+$0x0];
	[tilespmem:s16+$0x20] =	vst v4  }
0x34: {  	v4 =	vld [tilespmem:s18+$0x10];
	[tilespmem:s16+$0xFFFFFFC0] =	vst v5  }
0x35: {  	v5 =	vld [tilespmem:s18+$0x20]  }
0x36: {  	v7 =	vld [tilespmem:s18+$0xFFFFFFC0]  }
0x37: {  	v8 =	vld.idx.msk [tilespmem:v6+s10+$0x0], $0xffff  }
0x38: {  	v9 =	vld.idx.msk [tilespmem:v0+s10+$0x0], $0xffff  }
0x39: {  	v10 =	vld.idx.msk [tilespmem:v1+s10+$0x0], $0xffff  }
0x3a: {  	v11 =	vld.idx.msk [tilespmem:v2+s10+$0x0], $0xffff  }
0x3b: {  	v12 =	vld.idx.msk [tilespmem:v3+s10+$0x0], $0xffff  }
0x3c: {  	s15 =	sadd.s32 $0x80, s15;
	v13 =	vld.idx.msk [tilespmem:v4+s10+$0x0], $0xffff  }
0x3d: {  	v14 =	vld.idx.msk [tilespmem:v5+s10+$0x0], $0xffff;
	[tilespmem:s15+$0x30] =	vst v8  }
0x3e: {  	[tilespmem:s15+$0xFFFFFFD0] =	vst v9;
	v6 =	vld.idx.msk [tilespmem:v6+s11+$0x0], $0xffff  }
0x3f: {  	v8 =	vld.idx.msk [tilespmem:v7+s10+$0x0], $0xffff;
	[tilespmem:s15+$0xFFFFFFE0] =	vst v10  }
0x40: {  	v9 =	vld.idx.msk [tilespmem:v0+s11+$0x0], $0xffff;
	[tilespmem:s15+$0xFFFFFFF0] =	vst v11  }
0x41: {  	v0 =	vld.idx.msk [tilespmem:v1+s11+$0x0], $0xffff;
	[tilespmem:s15+$0x0] =	vst v12  }
.Ltmp0:
0x42: {  	v1 =	vld.idx.msk [tilespmem:v2+s11+$0x0], $0xffff;
	[tilespmem:s15+$0x10] =	vst v13;
	(pc) =	sbr.rel @p0 .LBB2_2-.Ltmp0, $4  }
0x43: {  	s16 =	sadd.s32 $0x80, s16;
	v2 =	vld.idx.msk [tilespmem:v3+s11+$0x0], $0xffff;
	[tilespmem:s15+$0x20] =	vst v14  }
0x44: {  	v3 =	vld.idx.msk [tilespmem:v4+s11+$0x0], $0xffff;
	[tilespmem:s16+$0x30] =	vst v6  }
0x45: {  	[tilespmem:s15+$0xFFFFFFC0] =	vst v8;
	v4 =	vld.idx.msk [tilespmem:v5+s11+$0x0], $0xffff  }
0x46: {  	s18 =	sadd.s32 $0x80, s18;
	v5 =	vld.idx.msk [tilespmem:v7+s11+$0x0], $0xffff;
	[tilespmem:s16+$0xFFFFFFD0] =	vst v9  }
0x47: {  	[tilespmem:s16+$0xFFFFFFE0] =	vst v0  }
0x48: {  	[tilespmem:s16+$0xFFFFFFF0] =	vst v1  }
0x49: {  	[tilespmem:s16+$0x0] =	vst v2  }
0x4a: {  	[tilespmem:s16+$0x10] =	vst v3  }
0x4b: {  	[tilespmem:s16+$0x20] =	vst v4  }
0x4c: {  	[tilespmem:s16+$0xFFFFFFC0] =	vst v5  }
0x4d: {  	v0 =	vld [tilespmem:$0x1380];
	_ =	sdelay $0x7  }
0x4e: {  	v1 =	vld.idx.msk [tilespmem:v0+s10+$0x0], $0xffff;
	_ =	sdelay $0x4  }
0x4f: {  	[tilespmem:$0x7680] =	vst v1  }
0x50: {  	v0 =	vld.idx.msk [tilespmem:v0+s11+$0x0], $0xffff;
	_ =	sdelay $0x4  }
0x51: {  	[tilespmem:$0x8A80] =	vst v0  }
0x52: {  	[hbm4b:s6+s2] =	stream.linear.scatter [tilespmem:s12], [sflag:$0x1], $0x1390, $0x38;
	[tilespmem:$0x8B00] =	vst v63  }
0x53: {  	s14 =	sadd.s32 $0x1, s14;
	_ =	swait.ge [sflag:s9], $0x1390  }
0x54: {  	p0 =	sne.s32 s14, s8;
	[sflag:s9] =	ssyncset.done $0x0  }
.Ltmp1:
0x55: {  	[sflag:s9] =	ssyncadd.s32 $0xFFFFEC70;
	(pc) =	sbr.rel @p0 .LBB2_1-.Ltmp1, $4  }
0x56: {  	[hbm4b:s7+s2] =	stream.linear.scatter [tilespmem:s13], [sflag:$0x1], $0x1390, $0x38;
	[tilespmem:$0x8B00] =	vst v63  }
0x57: {  	_ =	swait.ge [sflag:s9], $0x1390  }
0x58: {  	[sflag:s9] =	ssyncset.done $0x0  }
0x59: {  	[sflag:s9] =	ssyncadd.s32 $0xFFFFEC70  }
0x5a: {  	_ =	sfence.sel $0x180000  }
0x5b: {  	[bflag:$0x0] =	sbarrier.arrive $0xFFFF  }
0x5c: {  	p0 =	sne.s32 s0, $0x0;
	_ =	strace $0x9000004A  }
0x5d: {  	s0 =	sadd.s32 @!p0 $0x100000, s1;
	[bflag:$0x2] =	sbarrier.arrive $0xFFFF  }
0x5e: {  	[sflag:s0] =	ssyncadd.tile.s32 @!p0 $0x1;
	_ =	shalt  }
.Lfunc_end2:
_tile_overlayer_lowered:
.L_overlay_start_2:
0x5f: {  	(tag) =	ssettag $0x2  }
0x60: {  	s0 =	rddreg [dreg:$0x0];
	s2 =	stileid.u32  }
0x61: {  	s1 =	rddreg [dreg:$0x1];
	p0 =	sne.s32 s2, $0x0  }
0x62: {  	s3 =	rddreg [dreg:$0x2];
	[bflag:$0x3] =	sbarrier.arrive $0xFFFF;
	s2 =	simm.s32 @!p0 $0x1C01  }
0x63: {  	[timem:s3], [sflag:s2] =	dma.local @!p0 [hbm:s0], s1  }
0x64: {  	s0 =	simm.s32 @!p0 $0x1  }
0x65: {  	_ =	swait.ge @!p0 [sflag:s0], s1  }
0x66: {  	s1 =	ssub.s32 @!p0 $0x0, s1;
	[sflag:s0] =	ssyncset.done @!p0 $0x0  }
0x67: {  	[sflag:s0] =	ssyncadd.s32 @!p0 s1  }
0x68: {  	[bflag:$0x3] =	sbarrier.arrive $0xFFFF  }
0x69: {  	_ =	shalt  }

</sc_bundles>
